<compile_context>
chip_gen: v7x
topology: tpu7x:2x2x1
jax: 0.10.2.dev20260603
libtpu: 0.0.44.dev20260713+nightly
codegen_flags: <defaults>
</compile_context>

<pallas_src>
import functools

import jax
import jax.numpy as jnp
from jax import lax
from jax.experimental import pallas as pl
from jax.experimental.pallas import tpu as pltpu
from jax.experimental.pallas import tpu_sc as plsc

N_NODES = 50000
E_TOTAL = 1600000
C_OUT = 64

NW = 32
E_PER_W = E_TOTAL // NW
CH = 2000
N_CH = E_PER_W // CH
G16 = CH // 16

TROWS = 3200

BT = 16384
GRID_E = -(-E_TOTAL // BT)

_INV_SQRT3 = 0.5773502691896258
_RSQRT_SEED = 0x5F3759DF

_sc_mesh = plsc.VectorSubcoreMesh(core_axis_name="c", subcore_axis_name="s")
_sc_params = pltpu.CompilerParams(use_tc_tiling_on_sc=False,
                                  needs_layout_passes=False)


@functools.partial(
    pl.kernel,
    out_type=jax.ShapeDtypeStruct((2, N_NODES, 8), jnp.float32),
    mesh=_sc_mesh,
    compiler_params=_sc_params,
    scratch_types=[
        [pltpu.VMEM((CH,), jnp.int32)] * 2,
        [pltpu.VMEM((CH,), jnp.float32)] * 2,
        [pltpu.VMEM((CH,), jnp.float32)] * 2,
        [pltpu.VMEM((CH,), jnp.float32)] * 2,
        [pltpu.VMEM((CH, 8), jnp.float32)] * 2,
        pltpu.VMEM_SHARED((N_NODES, 8), jnp.float32),
        [pltpu.SemaphoreType.DMA] * 2,
        [pltpu.SemaphoreType.DMA] * 2,
    ],
)
def _scatter_k(rpx_hbm, rpy_hbm, rpz_hbm, idx_hbm, zeros_hbm, part_hbm,
               idx_v, cx_v, cy_v, cz_v, rows_v, acc_sh, sem_i, sem_o):
    c = lax.axis_index("c")
    s = lax.axis_index("s")
    wid = s * 2 + c

    @pl.when(s == 0)
    def _():
        pltpu.sync_copy(zeros_hbm, acc_sh)

    iota16 = lax.iota(jnp.int32, 16)
    col0 = jnp.zeros((16,), jnp.int32)
    col1 = col0 + 1
    col2 = col0 + 2
    col3 = col0 + 3
    ones16 = jnp.ones((16,), jnp.float32)

    plsc.subcore_barrier()

    def start_in(ci, p):
        off = wid * E_PER_W + ci * CH
        pltpu.async_copy(idx_hbm.at[pl.ds(off, CH)], idx_v[p], sem_i[p])
        pltpu.async_copy(rpx_hbm.at[pl.ds(off, CH)], cx_v[p], sem_i[p])
        pltpu.async_copy(rpy_hbm.at[pl.ds(off, CH)], cy_v[p], sem_i[p])
        pltpu.async_copy(rpz_hbm.at[pl.ds(off, CH)], cz_v[p], sem_i[p])

    def wait_in(p):
        sl = pl.ds(0, CH)
        pltpu.make_async_copy(idx_hbm.at[sl], idx_v[p], sem_i[p]).wait()
        pltpu.make_async_copy(rpx_hbm.at[sl], cx_v[p], sem_i[p]).wait()
        pltpu.make_async_copy(rpy_hbm.at[sl], cy_v[p], sem_i[p]).wait()
        pltpu.make_async_copy(rpz_hbm.at[sl], cz_v[p], sem_i[p]).wait()

    def start_out(p):
        pltpu.async_copy(rows_v[p], acc_sh.at[idx_v[p]], sem_o[p], add=True)

    def wait_out(p):
        pltpu.make_async_copy(rows_v[p], acc_sh.at[idx_v[p]], sem_o[p]).wait()

    def interleave(p):
        def group(j, carry2):
            sl = pl.ds(j * 16, 16)
            x = cx_v[p][sl]
            y = cy_v[p][sl]
            z = cz_v[p][sl]
            n2 = x * x + y * y + z * z
            seed = _RSQRT_SEED - lax.shift_right_logical(
                plsc.bitcast(n2, jnp.int32), 1)
            r = plsc.bitcast(seed, jnp.float32)
            h = 0.5 * n2
            r = r * (1.5 - h * r * r)
            r = r * (1.5 - h * r * r)
            r = r - 1e-8 * (r * r)
            e16 = iota16 + j * 16
            plsc.store_scatter(rows_v[p], [e16, col0], x * r)
            plsc.store_scatter(rows_v[p], [e16, col1], y * r)
            plsc.store_scatter(rows_v[p], [e16, col2], z * r)
            plsc.store_scatter(rows_v[p], [e16, col3], ones16)
            return carry2

        lax.fori_loop(0, G16, group, 0)

    start_in(0, 0)

    def body(ii, carry):
        c0 = 2 * ii

        @pl.when(ii > 0)
        def _():
            wait_out(1)

        wait_in(0)
        start_in(c0 + 1, 1)
        interleave(0)
        start_out(0)
        wait_in(1)
        interleave(1)
        wait_out(0)

        @pl.when(c0 + 2 < N_CH)
        def _():
            start_in(c0 + 2, 0)

        start_out(1)
        return carry

    lax.fori_loop(0, (N_CH - 1) // 2, body, 0)
    wait_out(1)
    wait_in(0)
    interleave(0)
    start_out(0)
    wait_out(0)

    plsc.subcore_barrier()

    @pl.when(s == 0)
    def _():
        pltpu.sync_copy(acc_sh, part_hbm.at[c])


@functools.partial(
    pl.kernel,
    out_type=[jax.ShapeDtypeStruct((E_TOTAL,), jnp.float32)] * 3,
    mesh=_sc_mesh,
    compiler_params=_sc_params,
    scratch_types=[
        [pltpu.VMEM((CH,), jnp.int32)] * 2,
        [pltpu.VMEM((CH, 8), jnp.float32)] * 2,
        [pltpu.VMEM((CH,), jnp.float32)] * 2,
        [pltpu.VMEM((CH,), jnp.float32)] * 2,
        [pltpu.VMEM((CH,), jnp.float32)] * 2,
        pltpu.VMEM((TROWS, 8), jnp.float32),
        pltpu.VMEM((TROWS, 8), jnp.float32),
        pltpu.VMEM_SHARED((N_NODES, 8), jnp.float32),
        [pltpu.SemaphoreType.DMA] * 2,
        [pltpu.SemaphoreType.DMA] * 2,
    ],
)
def _gather_k(part_hbm, idx_hbm, ox_hbm, oy_hbm, oz_hbm,
              idx_v, rows_v, gx_v, gy_v, gz_v, tmp_v, tmp2_v,
              acc_sh, sem_g, sem_o):
    c = lax.axis_index("c")
    s = lax.axis_index("s")
    wid = s * 2 + c

    rows0 = s * TROWS

    iotab = lax.iota(jnp.int32, 16)
    rowoff16 = lax.shift_right_logical(iotab, 3)
    colidx16 = iotab & 7
    cnt16 = jnp.zeros((16,), jnp.int32) + 3

    def build(nr):
        pltpu.sync_copy(part_hbm.at[0, pl.ds(rows0, nr)], tmp_v.at[pl.ds(0, nr)])
        pltpu.sync_copy(part_hbm.at[1, pl.ds(rows0, nr)], tmp2_v.at[pl.ds(0, nr)])

        def vrow(j, carry2):
            row16 = rowoff16 + 2 * j
            v = (plsc.load_gather(tmp_v, [row16, colidx16])
                 + plsc.load_gather(tmp2_v, [row16, colidx16]))
            cnt = (plsc.load_gather(tmp_v, [row16, cnt16])
                   + plsc.load_gather(tmp2_v, [row16, cnt16]))
            inv = 1.0 / jnp.maximum(cnt, 1.0)
            plsc.store_scatter(tmp_v, [row16, colidx16], v * inv)
            return carry2

        lax.fori_loop(0, nr // 2, vrow, 0)
        pltpu.sync_copy(tmp_v.at[pl.ds(0, nr)], acc_sh.at[pl.ds(rows0, nr)])

    @pl.when(s < 15)
    def _():
        build(TROWS)

    @pl.when(s == 15)
    def _():
        build(N_NODES - 15 * TROWS)

    plsc.subcore_barrier()

    iota16 = lax.iota(jnp.int32, 16)
    col0 = jnp.zeros((16,), jnp.int32)
    col1 = col0 + 1
    col2 = col0 + 2
    col3 = col0 + 3

    def start_gather(ci, p):
        off = wid * E_PER_W + ci * CH
        pltpu.sync_copy(idx_hbm.at[pl.ds(off, CH)], idx_v[p])
        pltpu.async_copy(acc_sh.at[idx_v[p]], rows_v[p], sem_g[p])

    def wait_gather(p):
        pltpu.make_async_copy(acc_sh.at[idx_v[p]], rows_v[p], sem_g[p]).wait()

    def start_out(ci, p):
        off = wid * E_PER_W + ci * CH
        pltpu.async_copy(gx_v[p], ox_hbm.at[pl.ds(off, CH)], sem_o[p])
        pltpu.async_copy(gy_v[p], oy_hbm.at[pl.ds(off, CH)], sem_o[p])
        pltpu.async_copy(gz_v[p], oz_hbm.at[pl.ds(off, CH)], sem_o[p])

    def wait_out(p):
        sl = pl.ds(0, CH)
        pltpu.make_async_copy(gx_v[p], ox_hbm.at[sl], sem_o[p]).wait()
        pltpu.make_async_copy(gy_v[p], oy_hbm.at[sl], sem_o[p]).wait()
        pltpu.make_async_copy(gz_v[p], oz_hbm.at[sl], sem_o[p]).wait()

    def deint(p):
        def group(j, carry2):
            e16 = iota16 + j * 16
            sl = pl.ds(j * 16, 16)
            gx_v[p][sl] = plsc.load_gather(rows_v[p], [e16, col0])
            gy_v[p][sl] = plsc.load_gather(rows_v[p], [e16, col1])
            gz_v[p][sl] = plsc.load_gather(rows_v[p], [e16, col2])
            return carry2

        lax.fori_loop(0, G16, group, 0)

    start_gather(0, 0)

    def body(ii, carry):
        c0 = 2 * ii
        start_gather(c0 + 1, 1)
        wait_gather(0)

        @pl.when(ii > 0)
        def _():
            wait_out(0)

        deint(0)
        start_out(c0, 0)

        @pl.when(c0 + 2 < N_CH)
        def _():
            start_gather(c0 + 2, 0)

        wait_gather(1)

        @pl.when(ii > 0)
        def _():
            wait_out(1)

        deint(1)
        start_out(c0 + 1, 1)
        return carry

    lax.fori_loop(0, (N_CH - 1) // 2, body, 0)
    wait_gather(0)
    wait_out(0)
    deint(0)
    start_out(N_CH - 1, 0)
    wait_out(0)
    wait_out(1)


def _final_body(gx_ref, gy_ref, gz_ref, wt_ref, b_ref, gam_ref,
                bet_ref, out_ref):
    f32 = jnp.float32
    gx = gx_ref[...].reshape(1, BT)
    gy = gy_ref[...].reshape(1, BT)
    gz = gz_ref[...].reshape(1, BT)
    wt = wt_ref[...]
    w0, w1, w2, w3 = wt[:, 0:1], wt[:, 1:2], wt[:, 2:3], wt[:, 3:4]
    w4, w5, w6, w7 = wt[:, 4:5], wt[:, 5:6], wt[:, 6:7], wt[:, 7:8]
    mx = (w0 - w1 + w2 + w3 - w4 - w5 + w6 - w7) * _INV_SQRT3
    my = (w0 + w1 - w2 + w3 - w4 + w5 - w6 - w7) * _INV_SQRT3
    mz = (w0 + w1 + w2 - w3 + w4 - w5 - w6 - w7) * _INV_SQRT3
    m3 = jnp.concatenate([mx, my, mz], axis=1)
    m4 = jnp.concatenate([m3, b_ref[...]], axis=1)

    e1, e2, e3 = gx, gy, gz
    ones_row = jnp.ones((1, BT), f32)
    mean3 = jnp.concatenate([e1, e2, e3], axis=0)
    mean4 = jnp.concatenate([mean3, ones_row], axis=0)

    o64 = jnp.full((1, C_OUT), 1.0 / C_OUT, f32)
    q1 = jnp.dot(o64, m3, preferred_element_type=f32)
    mb = jnp.dot(o64, b_ref[...], preferred_element_type=f32)
    mu = jnp.dot(q1, mean3, preferred_element_type=f32) + mb
    q4 = lax.dot_general(m4, m4, (((0,), (0,)), ((), ())),
                         preferred_element_type=f32) * (1.0 / C_OUT)
    t4 = jnp.dot(q4, mean4, preferred_element_type=f32) * mean4
    s2 = t4[0:1] + t4[1:2] + t4[2:3] + t4[3:4]
    var = s2 - mu * mu
    rs = lax.rsqrt(var + 1e-5)

    gam = gam_ref[...]
    lhs = jnp.concatenate(
        [m3 * gam, b_ref[...] * gam, gam, bet_ref[...]], axis=1)
    rhs = jnp.concatenate(
        [e1 * rs, e2 * rs, e3 * rs, rs, -(mu * rs), ones_row], axis=0)
    out_ref[...] = jnp.dot(lhs, rhs, preferred_element_type=f32)


def _final(gx, gy, gz, Wt, b, gamma, beta):
    vec = pl.BlockSpec((BT,), lambda i: (i,))
    return pl.pallas_call(
        _final_body,
        grid=(GRID_E,),
        in_specs=[
            vec, vec, vec,
            pl.BlockSpec((C_OUT, 8), lambda i: (0, 0)),
            pl.BlockSpec((C_OUT, 1), lambda i: (0, 0)),
            pl.BlockSpec((C_OUT, 1), lambda i: (0, 0)),
            pl.BlockSpec((C_OUT, 1), lambda i: (0, 0)),
        ],
        out_specs=pl.BlockSpec((C_OUT, BT), lambda i: (0, i)),
        out_shape=jax.ShapeDtypeStruct((C_OUT, E_TOTAL), jnp.float32),
    )(gx, gy, gz, Wt, b.reshape(C_OUT, 1), gamma.reshape(C_OUT, 1),
      beta.reshape(C_OUT, 1))


def kernel(relative_pos, edge_index_i, W, b, gamma, beta):
    rpx = relative_pos[:, 0]
    rpy = relative_pos[:, 1]
    rpz = relative_pos[:, 2]
    zeros = jnp.zeros((N_NODES, 8), jnp.float32)
    parts = _scatter_k(rpx, rpy, rpz, edge_index_i, zeros)
    gx, gy, gz = _gather_k(parts, edge_index_i)
    out_t = _final(gx, gy, gz, W.T, b, gamma, beta)
    return out_t.T

# --- scband reference (transcript-rebuilt; emitter-appended) ---
"""Pipeline reference for scband-light-kernel-65549790871633 (READ-ONLY COPY).

The authoritative reference and input builder live on the scoring server;
editing this copy changes nothing except your own understanding.
"""

import jax, jax.numpy as jnp
import numpy as np

N_NODES = 50000
N_EDGES = 1600000
OUT_CHANNELS = 64


def setup_inputs(seed: int = 0) -> dict:
    key = jax.random.key(seed)
    k1, k2, k3, k4, k5, k6 = jax.random.split(key, 6)
    relative_pos = jax.random.normal(k1, (N_EDGES, 3), dtype=jnp.float32)
    edge_index_i = jax.random.randint(k2, (N_EDGES,), 0, N_NODES, dtype=jnp.int32)
    # Linear(8, out_channels) params (torch default init: U(-1/sqrt(8), 1/sqrt(8)))
    bound = 1.0 / np.sqrt(8.0)
    W = jax.random.uniform(k3, (8, OUT_CHANNELS), minval=-bound, maxval=bound, dtype=jnp.float32)
    b = jax.random.uniform(k4, (OUT_CHANNELS,), minval=-bound, maxval=bound, dtype=jnp.float32)
    # LayerNorm params
    gamma = jnp.ones((OUT_CHANNELS,), dtype=jnp.float32)
    beta = jnp.zeros((OUT_CHANNELS,), dtype=jnp.float32)
    return {"relative_pos": relative_pos, "edge_index_i": edge_index_i, "W": W, "b": b, "gamma": gamma, "beta": beta}


def reference(relative_pos, edge_index_i, W, b, gamma, beta):
    kernel_dirs = jnp.array([[1.0, 1.0, 1.0], [-1.0, 1.0, 1.0], [1.0, -1.0, 1.0], [1.0, 1.0, -1.0],
                             [-1.0, -1.0, 1.0], [-1.0, 1.0, -1.0], [1.0, -1.0, -1.0], [-1.0, -1.0, -1.0]],
                            dtype=jnp.float32) / jnp.sqrt(jnp.float32(3.0))
    # normalize relative positions to unit directions
    norms = jnp.linalg.norm(relative_pos, axis=1, keepdims=True)
    directions = relative_pos / (norms + 1e-08)
    # project onto the 8 kernel directions -> [E, 8]
    kernel_responses = jnp.matmul(directions, kernel_dirs.T)
    # scatter_mean over destination nodes -> [N, 8]
    seg_sum = jax.ops.segment_sum(kernel_responses, edge_index_i, num_segments=N_NODES)
    seg_cnt = jax.ops.segment_sum(jnp.ones((kernel_responses.shape[0], 1), dtype=jnp.float32), edge_index_i, num_segments=N_NODES)
    neighborhood_shape = seg_sum / jnp.clip(seg_cnt, 1.0, None)
    # Linear(8 -> out_channels)
    shape_features = jnp.matmul(neighborhood_shape, W) + b
    # LayerNorm over last dim (eps=1e-5, biased variance like torch)
    mu = jnp.mean(shape_features, axis=-1, keepdims=True)
    var = jnp.mean(jnp.square(shape_features - mu), axis=-1, keepdims=True)
    shape_features = (shape_features - mu) / jnp.sqrt(var + 1e-5) * gamma + beta
    # gather back to edges -> [E, out_channels]
    return jnp.take(shape_features, edge_index_i, axis=0)

if __name__ == "__main__":
    import jax
    _d = setup_inputs()
    print(jax.jit(kernel)(*tuple(_d.values())))

</pallas_src>

<mosaic_0001>
#map = affine_map<(d0, d1) -> (0)>
#map1 = affine_map<(d0, d1) -> (0, 0)>
#map2 = affine_map<(d0, d1) -> (0, 0, 0)>
module attributes {stable_mosaic.version = 14 : i64} {
  func.func @_scatter_k(%arg0: i32, %arg1: i32, %arg2: memref<1600000xf32, #tpu.memory_space<hbm>>, %arg3: memref<1600000xf32, #tpu.memory_space<hbm>>, %arg4: memref<1600000xf32, #tpu.memory_space<hbm>>, %arg5: memref<1600000xi32, #tpu.memory_space<hbm>>, %arg6: memref<50000x8xf32, #tpu.memory_space<hbm>>, %arg7: memref<2x50000x8xf32, #tpu.memory_space<hbm>>, %arg8: memref<2000xi32, #tpu.memory_space<vmem>>, %arg9: memref<2000xi32, #tpu.memory_space<vmem>>, %arg10: memref<2000xf32, #tpu.memory_space<vmem>>, %arg11: memref<2000xf32, #tpu.memory_space<vmem>>, %arg12: memref<2000xf32, #tpu.memory_space<vmem>>, %arg13: memref<2000xf32, #tpu.memory_space<vmem>>, %arg14: memref<2000xf32, #tpu.memory_space<vmem>>, %arg15: memref<2000xf32, #tpu.memory_space<vmem>>, %arg16: memref<2000x8xf32, #tpu.memory_space<vmem>>, %arg17: memref<2000x8xf32, #tpu.memory_space<vmem>>, %arg18: memref<50000x8xf32, #tpu.memory_space<vmem_shared>>, %arg19: memref<!tpu.dma_semaphore, #tpu.memory_space<semaphore_mem>>, %arg20: memref<!tpu.dma_semaphore, #tpu.memory_space<semaphore_mem>>, %arg21: memref<!tpu.dma_semaphore, #tpu.memory_space<semaphore_mem>>, %arg22: memref<!tpu.dma_semaphore, #tpu.memory_space<semaphore_mem>>) attributes {dimension_semantics = [#tpu.dimension_semantics<core_parallel>, #tpu.dimension_semantics<subcore_parallel>], iteration_bounds = array<i64: 2, 16>, scalar_prefetch = 0 : i64, scratch_operands = 15 : i64, tpu.core_type = #tpu.core_type<sc_vector_subcore>, window_params = [{transform_indices = #map}, {transform_indices = #map}, {transform_indices = #map}, {transform_indices = #map}, {transform_indices = #map1}, {transform_indices = #map2}]} {
    %mul3A = arith.constant 2 : i32
    %mul3A_0 = arith.muli %arg1, %mul3A : i32
    %add3A = arith.addi %mul3A_0, %arg0 : i32
    %eq3A = arith.constant 0 : i32
    %eq3A_1 = arith.cmpi eq, %arg1, %eq3A : i32
    %convert_element_type3A = arith.extui %eq3A_1 : i1 to i32
    %cond3A = arith.constant 0 : i32
    %cond3A_2 = arith.cmpi ne, %convert_element_type3A, %cond3A : i32
    scf.if %cond3A_2 {
      "tpu.region"() ({
        %run_scoped3A = tpu.sem_alloc : memref<!tpu.dma_semaphore, #tpu.memory_space<semaphore_mem>>
        tpu.enqueue_dma source(%arg6 : memref<50000x8xf32, #tpu.memory_space<hbm>>) target(%arg18 : memref<50000x8xf32, #tpu.memory_space<vmem_shared>>) target_semaphore(%run_scoped3A : memref<!tpu.dma_semaphore, #tpu.memory_space<semaphore_mem>>)
        tpu.wait_dma2 semaphore(%run_scoped3A : memref<!tpu.dma_semaphore, #tpu.memory_space<semaphore_mem>>) src(%arg6 : memref<50000x8xf32, #tpu.memory_space<hbm>>) dst(%arg18 : memref<50000x8xf32, #tpu.memory_space<vmem_shared>>)
        tpu.yield
      }) : () -> ()
    } else {
    }
    %iota3A = tpu.iota {dimensions = array<i32: 0>} : vector<16xi32>
    %broadcast_in_dim3A = arith.constant 0 : i32
    %broadcast_in_dim3A_3 = vector.broadcast %broadcast_in_dim3A : i32 to vector<16xi32>
    %add3A_4 = arith.constant 1 : i32
    %add3A_5 = vector.broadcast %add3A_4 : i32 to vector<16xi32>
    %add3A_6 = arith.addi %broadcast_in_dim3A_3, %add3A_5 : vector<16xi32>
    %add3A_7 = arith.constant 2 : i32
    %add3A_8 = vector.broadcast %add3A_7 : i32 to vector<16xi32>
    %add3A_9 = arith.addi %broadcast_in_dim3A_3, %add3A_8 : vector<16xi32>
    %add3A_10 = arith.constant 3 : i32
    %add3A_11 = vector.broadcast %add3A_10 : i32 to vector<16xi32>
    %add3A_12 = arith.addi %broadcast_in_dim3A_3, %add3A_11 : vector<16xi32>
    %broadcast_in_dim3A_13 = arith.constant 1.000000e+00 : f32
    %broadcast_in_dim3A_14 = vector.broadcast %broadcast_in_dim3A_13 : f32 to vector<16xf32>
    %barrier3A = arith.constant 0 : index
    tpu.barrier barrier_id(%barrier3A)
    %mul3A_15 = arith.constant 50000 : i32
    %mul3A_16 = arith.muli %add3A, %mul3A_15 : i32
    %add3A_17 = arith.constant 0 : i32
    %add3A_18 = arith.addi %mul3A_16, %add3A_17 : i32
    %dma_start3A = tpu.memref_slice %arg5[%add3A_18] : memref<1600000xi32, #tpu.memory_space<hbm>> -> memref<2000xi32, #tpu.memory_space<hbm>>
    %dma_start3A_19 = tpu.memref_slice %arg5[%add3A_18] : memref<1600000xi32, #tpu.memory_space<hbm>> -> memref<2000xi32, #tpu.memory_space<hbm>>
    tpu.enqueue_dma source(%dma_start3A_19 : memref<2000xi32, #tpu.memory_space<hbm>>) target(%arg8 : memref<2000xi32, #tpu.memory_space<vmem>>) target_semaphore(%arg19 : memref<!tpu.dma_semaphore, #tpu.memory_space<semaphore_mem>>)
    %dma_start3A_20 = tpu.memref_slice %arg2[%add3A_18] : memref<1600000xf32, #tpu.memory_space<hbm>> -> memref<2000xf32, #tpu.memory_space<hbm>>
    %dma_start3A_21 = tpu.memref_slice %arg2[%add3A_18] : memref<1600000xf32, #tpu.memory_space<hbm>> -> memref<2000xf32, #tpu.memory_space<hbm>>
    tpu.enqueue_dma source(%dma_start3A_21 : memref<2000xf32, #tpu.memory_space<hbm>>) target(%arg10 : memref<2000xf32, #tpu.memory_space<vmem>>) target_semaphore(%arg19 : memref<!tpu.dma_semaphore, #tpu.memory_space<semaphore_mem>>)
    %dma_start3A_22 = tpu.memref_slice %arg3[%add3A_18] : memref<1600000xf32, #tpu.memory_space<hbm>> -> memref<2000xf32, #tpu.memory_space<hbm>>
    %dma_start3A_23 = tpu.memref_slice %arg3[%add3A_18] : memref<1600000xf32, #tpu.memory_space<hbm>> -> memref<2000xf32, #tpu.memory_space<hbm>>
    tpu.enqueue_dma source(%dma_start3A_23 : memref<2000xf32, #tpu.memory_space<hbm>>) target(%arg12 : memref<2000xf32, #tpu.memory_space<vmem>>) target_semaphore(%arg19 : memref<!tpu.dma_semaphore, #tpu.memory_space<semaphore_mem>>)
    %dma_start3A_24 = tpu.memref_slice %arg4[%add3A_18] : memref<1600000xf32, #tpu.memory_space<hbm>> -> memref<2000xf32, #tpu.memory_space<hbm>>
    %dma_start3A_25 = tpu.memref_slice %arg4[%add3A_18] : memref<1600000xf32, #tpu.memory_space<hbm>> -> memref<2000xf32, #tpu.memory_space<hbm>>
    tpu.enqueue_dma source(%dma_start3A_25 : memref<2000xf32, #tpu.memory_space<hbm>>) target(%arg14 : memref<2000xf32, #tpu.memory_space<vmem>>) target_semaphore(%arg19 : memref<!tpu.dma_semaphore, #tpu.memory_space<semaphore_mem>>)
    %scan3A = arith.constant 0 : i32
    %scan3A_26 = arith.constant 0 : i32
    %scan3A_27 = arith.constant 12 : i32
    %scan3A_28 = arith.addi %scan3A_26, %scan3A_27 : i32
    %scan3A_29 = arith.constant 1 : i32
    scf.for %scan3A_67 = %scan3A_26 to %scan3A_28 step %scan3A_29  : i32 {
      %mul3A_68 = arith.constant 2 : i32
      %mul3A_69 = arith.muli %mul3A_68, %scan3A_67 : i32
      %gt3A = arith.constant 0 : i32
      %gt3A_70 = arith.cmpi sgt, %scan3A_67, %gt3A : i32
      %convert_element_type3A_71 = arith.extui %gt3A_70 : i1 to i32
      %cond3A_72 = arith.constant 0 : i32
      %cond3A_73 = arith.cmpi ne, %convert_element_type3A_71, %cond3A_72 : i32
      scf.if %cond3A_73 {
        %dma_wait3A_148 = arith.constant 0 : i32
        %dma_wait3A_149 = arith.constant 0 : i32
        %dma_wait3A_150 = tpu.memref_slice %arg18[%dma_wait3A_148, %dma_wait3A_149] : memref<50000x8xf32, #tpu.memory_space<vmem_shared>> -> memref<50000x8xf32, #tpu.memory_space<vmem_shared>>
        tpu.wait_indirect_dma semaphore(%arg22 : memref<!tpu.dma_semaphore, #tpu.memory_space<semaphore_mem>>) src(%arg17 : memref<2000x8xf32, #tpu.memory_space<vmem>>) dst(%dma_wait3A_150 : memref<50000x8xf32, #tpu.memory_space<vmem_shared>>)
      } else {
      }
      %dma_wait3A_74 = arith.constant 0 : i32
      %dma_wait3A_75 = tpu.memref_slice %arg5[%dma_wait3A_74] : memref<1600000xi32, #tpu.memory_space<hbm>> -> memref<2000xi32, #tpu.memory_space<hbm>>
      %dma_wait3A_76 = arith.constant 0 : i32
      %dma_wait3A_77 = tpu.memref_slice %arg5[%dma_wait3A_76] : memref<1600000xi32, #tpu.memory_space<hbm>> -> memref<2000xi32, #tpu.memory_space<hbm>>
      tpu.wait_dma2 semaphore(%arg19 : memref<!tpu.dma_semaphore, #tpu.memory_space<semaphore_mem>>) src(%dma_wait3A_77 : memref<2000xi32, #tpu.memory_space<hbm>>) dst(%arg8 : memref<2000xi32, #tpu.memory_space<vmem>>)
      %dma_wait3A_78 = arith.constant 0 : i32
      %dma_wait3A_79 = tpu.memref_slice %arg2[%dma_wait3A_78] : memref<1600000xf32, #tpu.memory_space<hbm>> -> memref<2000xf32, #tpu.memory_space<hbm>>
      %dma_wait3A_80 = arith.constant 0 : i32
      %dma_wait3A_81 = tpu.memref_slice %arg2[%dma_wait3A_80] : memref<1600000xf32, #tpu.memory_space<hbm>> -> memref<2000xf32, #tpu.memory_space<hbm>>
      tpu.wait_dma2 semaphore(%arg19 : memref<!tpu.dma_semaphore, #tpu.memory_space<semaphore_mem>>) src(%dma_wait3A_81 : memref<2000xf32, #tpu.memory_space<hbm>>) dst(%arg10 : memref<2000xf32, #tpu.memory_space<vmem>>)
      %dma_wait3A_82 = arith.constant 0 : i32
      %dma_wait3A_83 = tpu.memref_slice %arg3[%dma_wait3A_82] : memref<1600000xf32, #tpu.memory_space<hbm>> -> memref<2000xf32, #tpu.memory_space<hbm>>
      %dma_wait3A_84 = arith.constant 0 : i32
      %dma_wait3A_85 = tpu.memref_slice %arg3[%dma_wait3A_84] : memref<1600000xf32, #tpu.memory_space<hbm>> -> memref<2000xf32, #tpu.memory_space<hbm>>
      tpu.wait_dma2 semaphore(%arg19 : memref<!tpu.dma_semaphore, #tpu.memory_space<semaphore_mem>>) src(%dma_wait3A_85 : memref<2000xf32, #tpu.memory_space<hbm>>) dst(%arg12 : memref<2000xf32, #tpu.memory_space<vmem>>)
      %dma_wait3A_86 = arith.constant 0 : i32
      %dma_wait3A_87 = tpu.memref_slice %arg4[%dma_wait3A_86] : memref<1600000xf32, #tpu.memory_space<hbm>> -> memref<2000xf32, #tpu.memory_space<hbm>>
      %dma_wait3A_88 = arith.constant 0 : i32
      %dma_wait3A_89 = tpu.memref_slice %arg4[%dma_wait3A_88] : memref<1600000xf32, #tpu.memory_space<hbm>> -> memref<2000xf32, #tpu.memory_space<hbm>>
      tpu.wait_dma2 semaphore(%arg19 : memref<!tpu.dma_semaphore, #tpu.memory_space<semaphore_mem>>) src(%dma_wait3A_89 : memref<2000xf32, #tpu.memory_space<hbm>>) dst(%arg14 : memref<2000xf32, #tpu.memory_space<vmem>>)
      %add3A_90 = arith.constant 1 : i32
      %add3A_91 = arith.addi %mul3A_69, %add3A_90 : i32
      %mul3A_92 = arith.constant 50000 : i32
      %mul3A_93 = arith.muli %add3A, %mul3A_92 : i32
      %mul3A_94 = arith.constant 2000 : i32
      %mul3A_95 = arith.muli %add3A_91, %mul3A_94 : i32
      %add3A_96 = arith.addi %mul3A_93, %mul3A_95 : i32
      %dma_start3A_97 = tpu.memref_slice %arg5[%add3A_96] : memref<1600000xi32, #tpu.memory_space<hbm>> -> memref<2000xi32, #tpu.memory_space<hbm>>
      %dma_start3A_98 = tpu.memref_slice %arg5[%add3A_96] : memref<1600000xi32, #tpu.memory_space<hbm>> -> memref<2000xi32, #tpu.memory_space<hbm>>
      tpu.enqueue_dma source(%dma_start3A_98 : memref<2000xi32, #tpu.memory_space<hbm>>) target(%arg9 : memref<2000xi32, #tpu.memory_space<vmem>>) target_semaphore(%arg20 : memref<!tpu.dma_semaphore, #tpu.memory_space<semaphore_mem>>)
      %dma_start3A_99 = tpu.memref_slice %arg2[%add3A_96] : memref<1600000xf32, #tpu.memory_space<hbm>> -> memref<2000xf32, #tpu.memory_space<hbm>>
      %dma_start3A_100 = tpu.memref_slice %arg2[%add3A_96] : memref<1600000xf32, #tpu.memory_space<hbm>> -> memref<2000xf32, #tpu.memory_space<hbm>>
      tpu.enqueue_dma source(%dma_start3A_100 : memref<2000xf32, #tpu.memory_space<hbm>>) target(%arg11 : memref<2000xf32, #tpu.memory_space<vmem>>) target_semaphore(%arg20 : memref<!tpu.dma_semaphore, #tpu.memory_space<semaphore_mem>>)
      %dma_start3A_101 = tpu.memref_slice %arg3[%add3A_96] : memref<1600000xf32, #tpu.memory_space<hbm>> -> memref<2000xf32, #tpu.memory_space<hbm>>
      %dma_start3A_102 = tpu.memref_slice %arg3[%add3A_96] : memref<1600000xf32, #tpu.memory_space<hbm>> -> memref<2000xf32, #tpu.memory_space<hbm>>
      tpu.enqueue_dma source(%dma_start3A_102 : memref<2000xf32, #tpu.memory_space<hbm>>) target(%arg13 : memref<2000xf32, #tpu.memory_space<vmem>>) target_semaphore(%arg20 : memref<!tpu.dma_semaphore, #tpu.memory_space<semaphore_mem>>)
      %dma_start3A_103 = tpu.memref_slice %arg4[%add3A_96] : memref<1600000xf32, #tpu.memory_space<hbm>> -> memref<2000xf32, #tpu.memory_space<hbm>>
      %dma_start3A_104 = tpu.memref_slice %arg4[%add3A_96] : memref<1600000xf32, #tpu.memory_space<hbm>> -> memref<2000xf32, #tpu.memory_space<hbm>>
      tpu.enqueue_dma source(%dma_start3A_104 : memref<2000xf32, #tpu.memory_space<hbm>>) target(%arg15 : memref<2000xf32, #tpu.memory_space<vmem>>) target_semaphore(%arg20 : memref<!tpu.dma_semaphore, #tpu.memory_space<semaphore_mem>>)
      %scan3A_105 = arith.constant 0 : i32
      %scan3A_106 = arith.constant 0 : i32
      %scan3A_107 = arith.constant 125 : i32
      %scan3A_108 = arith.addi %scan3A_106, %scan3A_107 : i32
      %scan3A_109 = arith.constant 1 : i32
      scf.for %scan3A_148 = %scan3A_106 to %scan3A_108 step %scan3A_109  : i32 {
        %mul3A_149 = arith.constant 16 : i32
        %mul3A_150 = arith.muli %scan3A_148, %mul3A_149 : i32
        %get3A = arith.index_cast %mul3A_150 : i32 to index
        %get3A_151 = tpu.vector_load %arg10[%get3A] {strides = array<i32>} : memref<2000xf32, #tpu.memory_space<vmem>>, vector<16xf32>,
        %get3A_152 = arith.index_cast %mul3A_150 : i32 to index
        %get3A_153 = tpu.vector_load %arg12[%get3A_152] {strides = array<i32>} : memref<2000xf32, #tpu.memory_space<vmem>>, vector<16xf32>,
        %get3A_154 = arith.index_cast %mul3A_150 : i32 to index
        %get3A_155 = tpu.vector_load %arg14[%get3A_154] {strides = array<i32>} : memref<2000xf32, #tpu.memory_space<vmem>>, vector<16xf32>,
        %mul3A_156 = arith.mulf %get3A_151, %get3A_151 : vector<16xf32>
        %mul3A_157 = arith.mulf %get3A_153, %get3A_153 : vector<16xf32>
        %add3A_158 = arith.addf %mul3A_156, %mul3A_157 : vector<16xf32>
        %mul3A_159 = arith.mulf %get3A_155, %get3A_155 : vector<16xf32>
        %add3A_160 = arith.addf %add3A_158, %mul3A_159 : vector<16xf32>
        %bitcast3A = vector.bitcast %add3A_160 : vector<16xf32> to vector<16xi32>
        %shift_right_logical3A = arith.constant 1 : i32
        %shift_right_logical3A_161 = vector.broadcast %shift_right_logical3A : i32 to vector<16xi32>
        %shift_right_logical3A_162 = arith.shrui %bitcast3A, %shift_right_logical3A_161 : vector<16xi32>
        %sub3A = arith.constant 1597463007 : i32
        %sub3A_163 = vector.broadcast %sub3A : i32 to vector<16xi32>
        %sub3A_164 = arith.subi %sub3A_163, %shift_right_logical3A_162 : vector<16xi32>
        %bitcast3A_165 = vector.bitcast %sub3A_164 : vector<16xi32> to vector<16xf32>
        %mul3A_166 = arith.constant 5.000000e-01 : f32
        %mul3A_167 = vector.broadcast %mul3A_166 : f32 to vector<16xf32>
        %mul3A_168 = arith.mulf %mul3A_167, %add3A_160 : vector<16xf32>
        %mul3A_169 = arith.mulf %mul3A_168, %bitcast3A_165 : vector<16xf32>
        %mul3A_170 = arith.mulf %mul3A_169, %bitcast3A_165 : vector<16xf32>
        %sub3A_171 = arith.constant 1.500000e+00 : f32
        %sub3A_172 = vector.broadcast %sub3A_171 : f32 to vector<16xf32>
        %sub3A_173 = arith.subf %sub3A_172, %mul3A_170 : vector<16xf32>
        %mul3A_174 = arith.mulf %bitcast3A_165, %sub3A_173 : vector<16xf32>
        %mul3A_175 = arith.mulf %mul3A_168, %mul3A_174 : vector<16xf32>
        %mul3A_176 = arith.mulf %mul3A_175, %mul3A_174 : vector<16xf32>
        %sub3A_177 = arith.constant 1.500000e+00 : f32
        %sub3A_178 = vector.broadcast %sub3A_177 : f32 to vector<16xf32>
        %sub3A_179 = arith.subf %sub3A_178, %mul3A_176 : vector<16xf32>
        %mul3A_180 = arith.mulf %mul3A_174, %sub3A_179 : vector<16xf32>
        %mul3A_181 = arith.mulf %mul3A_180, %mul3A_180 : vector<16xf32>
        %mul3A_182 = arith.constant 9.99999993E-9 : f32
        %mul3A_183 = vector.broadcast %mul3A_182 : f32 to vector<16xf32>
        %mul3A_184 = arith.mulf %mul3A_183, %mul3A_181 : vector<16xf32>
        %sub3A_185 = arith.subf %mul3A_180, %mul3A_184 : vector<16xf32>
        %mul3A_186 = arith.constant 16 : i32
        %mul3A_187 = arith.muli %scan3A_148, %mul3A_186 : i32
        %add3A_188 = vector.broadcast %mul3A_187 : i32 to vector<16xi32>
        %add3A_189 = arith.addi %iota3A, %add3A_188 : vector<16xi32>
        %mul3A_190 = arith.mulf %get3A_151, %sub3A_185 : vector<16xf32>
        tpu.vector_store_idx %arg16[%add3A_189, %broadcast_in_dim3A_3], %mul3A_190 : memref<2000x8xf32, #tpu.memory_space<vmem>>[vector<16xi32>, vector<16xi32>], vector<16xf32>,
        %mul3A_191 = arith.mulf %get3A_153, %sub3A_185 : vector<16xf32>
        tpu.vector_store_idx %arg16[%add3A_189, %add3A_6], %mul3A_191 : memref<2000x8xf32, #tpu.memory_space<vmem>>[vector<16xi32>, vector<16xi32>], vector<16xf32>,
        %mul3A_192 = arith.mulf %get3A_155, %sub3A_185 : vector<16xf32>
        tpu.vector_store_idx %arg16[%add3A_189, %add3A_9], %mul3A_192 : memref<2000x8xf32, #tpu.memory_space<vmem>>[vector<16xi32>, vector<16xi32>], vector<16xf32>,
        tpu.vector_store_idx %arg16[%add3A_189, %add3A_12], %broadcast_in_dim3A_14 : memref<2000x8xf32, #tpu.memory_space<vmem>>[vector<16xi32>, vector<16xi32>], vector<16xf32>,
      }
      %scan3A_110 = arith.constant 125 : i32
      %dma_start3A_111 = arith.constant 0 : i32
      %dma_start3A_112 = arith.constant 0 : i32
      %dma_start3A_113 = tpu.memref_slice %arg18[%dma_start3A_111, %dma_start3A_112] : memref<50000x8xf32, #tpu.memory_space<vmem_shared>> -> memref<50000x8xf32, #tpu.memory_space<vmem_shared>>
      tpu.enqueue_indirect_dma source(%arg16 : memref<2000x8xf32, #tpu.memory_space<vmem>>) target(%dma_start3A_113 : memref<50000x8xf32, #tpu.memory_space<vmem_shared>>) offsets(%arg8 : memref<2000xi32, #tpu.memory_space<vmem>>) semaphore(%arg21 : memref<!tpu.dma_semaphore, #tpu.memory_space<semaphore_mem>>) {add = true}
      %dma_wait3A_114 = arith.constant 0 : i32
      %dma_wait3A_115 = tpu.memref_slice %arg5[%dma_wait3A_114] : memref<1600000xi32, #tpu.memory_space<hbm>> -> memref<2000xi32, #tpu.memory_space<hbm>>
      %dma_wait3A_116 = arith.constant 0 : i32
      %dma_wait3A_117 = tpu.memref_slice %arg5[%dma_wait3A_116] : memref<1600000xi32, #tpu.memory_space<hbm>> -> memref<2000xi32, #tpu.memory_space<hbm>>
      tpu.wait_dma2 semaphore(%arg20 : memref<!tpu.dma_semaphore, #tpu.memory_space<semaphore_mem>>) src(%dma_wait3A_117 : memref<2000xi32, #tpu.memory_space<hbm>>) dst(%arg9 : memref<2000xi32, #tpu.memory_space<vmem>>)
      %dma_wait3A_118 = arith.constant 0 : i32
      %dma_wait3A_119 = tpu.memref_slice %arg2[%dma_wait3A_118] : memref<1600000xf32, #tpu.memory_space<hbm>> -> memref<2000xf32, #tpu.memory_space<hbm>>
      %dma_wait3A_120 = arith.constant 0 : i32
      %dma_wait3A_121 = tpu.memref_slice %arg2[%dma_wait3A_120] : memref<1600000xf32, #tpu.memory_space<hbm>> -> memref<2000xf32, #tpu.memory_space<hbm>>
      tpu.wait_dma2 semaphore(%arg20 : memref<!tpu.dma_semaphore, #tpu.memory_space<semaphore_mem>>) src(%dma_wait3A_121 : memref<2000xf32, #tpu.memory_space<hbm>>) dst(%arg11 : memref<2000xf32, #tpu.memory_space<vmem>>)
      %dma_wait3A_122 = arith.constant 0 : i32
      %dma_wait3A_123 = tpu.memref_slice %arg3[%dma_wait3A_122] : memref<1600000xf32, #tpu.memory_space<hbm>> -> memref<2000xf32, #tpu.memory_space<hbm>>
      %dma_wait3A_124 = arith.constant 0 : i32
      %dma_wait3A_125 = tpu.memref_slice %arg3[%dma_wait3A_124] : memref<1600000xf32, #tpu.memory_space<hbm>> -> memref<2000xf32, #tpu.memory_space<hbm>>
      tpu.wait_dma2 semaphore(%arg20 : memref<!tpu.dma_semaphore, #tpu.memory_space<semaphore_mem>>) src(%dma_wait3A_125 : memref<2000xf32, #tpu.memory_space<hbm>>) dst(%arg13 : memref<2000xf32, #tpu.memory_space<vmem>>)
      %dma_wait3A_126 = arith.constant 0 : i32
      %dma_wait3A_127 = tpu.memref_slice %arg4[%dma_wait3A_126] : memref<1600000xf32, #tpu.memory_space<hbm>> -> memref<2000xf32, #tpu.memory_space<hbm>>
      %dma_wait3A_128 = arith.constant 0 : i32
      %dma_wait3A_129 = tpu.memref_slice %arg4[%dma_wait3A_128] : memref<1600000xf32, #tpu.memory_space<hbm>> -> memref<2000xf32, #tpu.memory_space<hbm>>
      tpu.wait_dma2 semaphore(%arg20 : memref<!tpu.dma_semaphore, #tpu.memory_space<semaphore_mem>>) src(%dma_wait3A_129 : memref<2000xf32, #tpu.memory_space<hbm>>) dst(%arg15 : memref<2000xf32, #tpu.memory_space<vmem>>)
      %scan3A_130 = arith.constant 0 : i32
      %scan3A_131 = arith.constant 0 : i32
      %scan3A_132 = arith.constant 125 : i32
      %scan3A_133 = arith.addi %scan3A_131, %scan3A_132 : i32
      %scan3A_134 = arith.constant 1 : i32
      scf.for %scan3A_148 = %scan3A_131 to %scan3A_133 step %scan3A_134  : i32 {
        %mul3A_149 = arith.constant 16 : i32
        %mul3A_150 = arith.muli %scan3A_148, %mul3A_149 : i32
        %get3A = arith.index_cast %mul3A_150 : i32 to index
        %get3A_151 = tpu.vector_load %arg11[%get3A] {strides = array<i32>} : memref<2000xf32, #tpu.memory_space<vmem>>, vector<16xf32>,
        %get3A_152 = arith.index_cast %mul3A_150 : i32 to index
        %get3A_153 = tpu.vector_load %arg13[%get3A_152] {strides = array<i32>} : memref<2000xf32, #tpu.memory_space<vmem>>, vector<16xf32>,
        %get3A_154 = arith.index_cast %mul3A_150 : i32 to index
        %get3A_155 = tpu.vector_load %arg15[%get3A_154] {strides = array<i32>} : memref<2000xf32, #tpu.memory_space<vmem>>, vector<16xf32>,
        %mul3A_156 = arith.mulf %get3A_151, %get3A_151 : vector<16xf32>
        %mul3A_157 = arith.mulf %get3A_153, %get3A_153 : vector<16xf32>
        %add3A_158 = arith.addf %mul3A_156, %mul3A_157 : vector<16xf32>
        %mul3A_159 = arith.mulf %get3A_155, %get3A_155 : vector<16xf32>
        %add3A_160 = arith.addf %add3A_158, %mul3A_159 : vector<16xf32>
        %bitcast3A = vector.bitcast %add3A_160 : vector<16xf32> to vector<16xi32>
        %shift_right_logical3A = arith.constant 1 : i32
        %shift_right_logical3A_161 = vector.broadcast %shift_right_logical3A : i32 to vector<16xi32>
        %shift_right_logical3A_162 = arith.shrui %bitcast3A, %shift_right_logical3A_161 : vector<16xi32>
        %sub3A = arith.constant 1597463007 : i32
        %sub3A_163 = vector.broadcast %sub3A : i32 to vector<16xi32>
        %sub3A_164 = arith.subi %sub3A_163, %shift_right_logical3A_162 : vector<16xi32>
        %bitcast3A_165 = vector.bitcast %sub3A_164 : vector<16xi32> to vector<16xf32>
        %mul3A_166 = arith.constant 5.000000e-01 : f32
        %mul3A_167 = vector.broadcast %mul3A_166 : f32 to vector<16xf32>
        %mul3A_168 = arith.mulf %mul3A_167, %add3A_160 : vector<16xf32>
        %mul3A_169 = arith.mulf %mul3A_168, %bitcast3A_165 : vector<16xf32>
        %mul3A_170 = arith.mulf %mul3A_169, %bitcast3A_165 : vector<16xf32>
        %sub3A_171 = arith.constant 1.500000e+00 : f32
        %sub3A_172 = vector.broadcast %sub3A_171 : f32 to vector<16xf32>
        %sub3A_173 = arith.subf %sub3A_172, %mul3A_170 : vector<16xf32>
        %mul3A_174 = arith.mulf %bitcast3A_165, %sub3A_173 : vector<16xf32>
        %mul3A_175 = arith.mulf %mul3A_168, %mul3A_174 : vector<16xf32>
        %mul3A_176 = arith.mulf %mul3A_175, %mul3A_174 : vector<16xf32>
        %sub3A_177 = arith.constant 1.500000e+00 : f32
        %sub3A_178 = vector.broadcast %sub3A_177 : f32 to vector<16xf32>
        %sub3A_179 = arith.subf %sub3A_178, %mul3A_176 : vector<16xf32>
        %mul3A_180 = arith.mulf %mul3A_174, %sub3A_179 : vector<16xf32>
        %mul3A_181 = arith.mulf %mul3A_180, %mul3A_180 : vector<16xf32>
        %mul3A_182 = arith.constant 9.99999993E-9 : f32
        %mul3A_183 = vector.broadcast %mul3A_182 : f32 to vector<16xf32>
        %mul3A_184 = arith.mulf %mul3A_183, %mul3A_181 : vector<16xf32>
        %sub3A_185 = arith.subf %mul3A_180, %mul3A_184 : vector<16xf32>
        %mul3A_186 = arith.constant 16 : i32
        %mul3A_187 = arith.muli %scan3A_148, %mul3A_186 : i32
        %add3A_188 = vector.broadcast %mul3A_187 : i32 to vector<16xi32>
        %add3A_189 = arith.addi %iota3A, %add3A_188 : vector<16xi32>
        %mul3A_190 = arith.mulf %get3A_151, %sub3A_185 : vector<16xf32>
        tpu.vector_store_idx %arg17[%add3A_189, %broadcast_in_dim3A_3], %mul3A_190 : memref<2000x8xf32, #tpu.memory_space<vmem>>[vector<16xi32>, vector<16xi32>], vector<16xf32>,
        %mul3A_191 = arith.mulf %get3A_153, %sub3A_185 : vector<16xf32>
        tpu.vector_store_idx %arg17[%add3A_189, %add3A_6], %mul3A_191 : memref<2000x8xf32, #tpu.memory_space<vmem>>[vector<16xi32>, vector<16xi32>], vector<16xf32>,
        %mul3A_192 = arith.mulf %get3A_155, %sub3A_185 : vector<16xf32>
        tpu.vector_store_idx %arg17[%add3A_189, %add3A_9], %mul3A_192 : memref<2000x8xf32, #tpu.memory_space<vmem>>[vector<16xi32>, vector<16xi32>], vector<16xf32>,
        tpu.vector_store_idx %arg17[%add3A_189, %add3A_12], %broadcast_in_dim3A_14 : memref<2000x8xf32, #tpu.memory_space<vmem>>[vector<16xi32>, vector<16xi32>], vector<16xf32>,
      }
      %scan3A_135 = arith.constant 125 : i32
      %dma_wait3A_136 = arith.constant 0 : i32
      %dma_wait3A_137 = arith.constant 0 : i32
      %dma_wait3A_138 = tpu.memref_slice %arg18[%dma_wait3A_136, %dma_wait3A_137] : memref<50000x8xf32, #tpu.memory_space<vmem_shared>> -> memref<50000x8xf32, #tpu.memory_space<vmem_shared>>
      tpu.wait_indirect_dma semaphore(%arg21 : memref<!tpu.dma_semaphore, #tpu.memory_space<semaphore_mem>>) src(%arg16 : memref<2000x8xf32, #tpu.memory_space<vmem>>) dst(%dma_wait3A_138 : memref<50000x8xf32, #tpu.memory_space<vmem_shared>>)
      %add3A_139 = arith.constant 2 : i32
      %add3A_140 = arith.addi %mul3A_69, %add3A_139 : i32
      %lt3A = arith.constant 25 : i32
      %lt3A_141 = arith.cmpi slt, %add3A_140, %lt3A : i32
      %convert_element_type3A_142 = arith.extui %lt3A_141 : i1 to i32
      %cond3A_143 = arith.constant 0 : i32
      %cond3A_144 = arith.cmpi ne, %convert_element_type3A_142, %cond3A_143 : i32
      scf.if %cond3A_144 {
        %add3A_148 = arith.constant 2 : i32
        %add3A_149 = arith.addi %mul3A_69, %add3A_148 : i32
        %mul3A_150 = arith.constant 50000 : i32
        %mul3A_151 = arith.muli %add3A, %mul3A_150 : i32
        %mul3A_152 = arith.constant 2000 : i32
        %mul3A_153 = arith.muli %add3A_149, %mul3A_152 : i32
        %add3A_154 = arith.addi %mul3A_151, %mul3A_153 : i32
        %dma_start3A_155 = tpu.memref_slice %arg5[%add3A_154] : memref<1600000xi32, #tpu.memory_space<hbm>> -> memref<2000xi32, #tpu.memory_space<hbm>>
        %dma_start3A_156 = tpu.memref_slice %arg5[%add3A_154] : memref<1600000xi32, #tpu.memory_space<hbm>> -> memref<2000xi32, #tpu.memory_space<hbm>>
        tpu.enqueue_dma source(%dma_start3A_156 : memref<2000xi32, #tpu.memory_space<hbm>>) target(%arg8 : memref<2000xi32, #tpu.memory_space<vmem>>) target_semaphore(%arg19 : memref<!tpu.dma_semaphore, #tpu.memory_space<semaphore_mem>>)
        %dma_start3A_157 = tpu.memref_slice %arg2[%add3A_154] : memref<1600000xf32, #tpu.memory_space<hbm>> -> memref<2000xf32, #tpu.memory_space<hbm>>
        %dma_start3A_158 = tpu.memref_slice %arg2[%add3A_154] : memref<1600000xf32, #tpu.memory_space<hbm>> -> memref<2000xf32, #tpu.memory_space<hbm>>
        tpu.enqueue_dma source(%dma_start3A_158 : memref<2000xf32, #tpu.memory_space<hbm>>) target(%arg10 : memref<2000xf32, #tpu.memory_space<vmem>>) target_semaphore(%arg19 : memref<!tpu.dma_semaphore, #tpu.memory_space<semaphore_mem>>)
        %dma_start3A_159 = tpu.memref_slice %arg3[%add3A_154] : memref<1600000xf32, #tpu.memory_space<hbm>> -> memref<2000xf32, #tpu.memory_space<hbm>>
        %dma_start3A_160 = tpu.memref_slice %arg3[%add3A_154] : memref<1600000xf32, #tpu.memory_space<hbm>> -> memref<2000xf32, #tpu.memory_space<hbm>>
        tpu.enqueue_dma source(%dma_start3A_160 : memref<2000xf32, #tpu.memory_space<hbm>>) target(%arg12 : memref<2000xf32, #tpu.memory_space<vmem>>) target_semaphore(%arg19 : memref<!tpu.dma_semaphore, #tpu.memory_space<semaphore_mem>>)
        %dma_start3A_161 = tpu.memref_slice %arg4[%add3A_154] : memref<1600000xf32, #tpu.memory_space<hbm>> -> memref<2000xf32, #tpu.memory_space<hbm>>
        %dma_start3A_162 = tpu.memref_slice %arg4[%add3A_154] : memref<1600000xf32, #tpu.memory_space<hbm>> -> memref<2000xf32, #tpu.memory_space<hbm>>
        tpu.enqueue_dma source(%dma_start3A_162 : memref<2000xf32, #tpu.memory_space<hbm>>) target(%arg14 : memref<2000xf32, #tpu.memory_space<vmem>>) target_semaphore(%arg19 : memref<!tpu.dma_semaphore, #tpu.memory_space<semaphore_mem>>)
      } else {
      }
      %dma_start3A_145 = arith.constant 0 : i32
      %dma_start3A_146 = arith.constant 0 : i32
      %dma_start3A_147 = tpu.memref_slice %arg18[%dma_start3A_145, %dma_start3A_146] : memref<50000x8xf32, #tpu.memory_space<vmem_shared>> -> memref<50000x8xf32, #tpu.memory_space<vmem_shared>>
      tpu.enqueue_indirect_dma source(%arg17 : memref<2000x8xf32, #tpu.memory_space<vmem>>) target(%dma_start3A_147 : memref<50000x8xf32, #tpu.memory_space<vmem_shared>>) offsets(%arg9 : memref<2000xi32, #tpu.memory_space<vmem>>) semaphore(%arg22 : memref<!tpu.dma_semaphore, #tpu.memory_space<semaphore_mem>>) {add = true}
    }
    %scan3A_30 = arith.constant 12 : i32
    %dma_wait3A = arith.constant 0 : i32
    %dma_wait3A_31 = arith.constant 0 : i32
    %dma_wait3A_32 = tpu.memref_slice %arg18[%dma_wait3A, %dma_wait3A_31] : memref<50000x8xf32, #tpu.memory_space<vmem_shared>> -> memref<50000x8xf32, #tpu.memory_space<vmem_shared>>
    tpu.wait_indirect_dma semaphore(%arg22 : memref<!tpu.dma_semaphore, #tpu.memory_space<semaphore_mem>>) src(%arg17 : memref<2000x8xf32, #tpu.memory_space<vmem>>) dst(%dma_wait3A_32 : memref<50000x8xf32, #tpu.memory_space<vmem_shared>>)
    %dma_wait3A_33 = arith.constant 0 : i32
    %dma_wait3A_34 = tpu.memref_slice %arg5[%dma_wait3A_33] : memref<1600000xi32, #tpu.memory_space<hbm>> -> memref<2000xi32, #tpu.memory_space<hbm>>
    %dma_wait3A_35 = arith.constant 0 : i32
    %dma_wait3A_36 = tpu.memref_slice %arg5[%dma_wait3A_35] : memref<1600000xi32, #tpu.memory_space<hbm>> -> memref<2000xi32, #tpu.memory_space<hbm>>
    tpu.wait_dma2 semaphore(%arg19 : memref<!tpu.dma_semaphore, #tpu.memory_space<semaphore_mem>>) src(%dma_wait3A_36 : memref<2000xi32, #tpu.memory_space<hbm>>) dst(%arg8 : memref<2000xi32, #tpu.memory_space<vmem>>)
    %dma_wait3A_37 = arith.constant 0 : i32
    %dma_wait3A_38 = tpu.memref_slice %arg2[%dma_wait3A_37] : memref<1600000xf32, #tpu.memory_space<hbm>> -> memref<2000xf32, #tpu.memory_space<hbm>>
    %dma_wait3A_39 = arith.constant 0 : i32
    %dma_wait3A_40 = tpu.memref_slice %arg2[%dma_wait3A_39] : memref<1600000xf32, #tpu.memory_space<hbm>> -> memref<2000xf32, #tpu.memory_space<hbm>>
    tpu.wait_dma2 semaphore(%arg19 : memref<!tpu.dma_semaphore, #tpu.memory_space<semaphore_mem>>) src(%dma_wait3A_40 : memref<2000xf32, #tpu.memory_space<hbm>>) dst(%arg10 : memref<2000xf32, #tpu.memory_space<vmem>>)
    %dma_wait3A_41 = arith.constant 0 : i32
    %dma_wait3A_42 = tpu.memref_slice %arg3[%dma_wait3A_41] : memref<1600000xf32, #tpu.memory_space<hbm>> -> memref<2000xf32, #tpu.memory_space<hbm>>
    %dma_wait3A_43 = arith.constant 0 : i32
    %dma_wait3A_44 = tpu.memref_slice %arg3[%dma_wait3A_43] : memref<1600000xf32, #tpu.memory_space<hbm>> -> memref<2000xf32, #tpu.memory_space<hbm>>
    tpu.wait_dma2 semaphore(%arg19 : memref<!tpu.dma_semaphore, #tpu.memory_space<semaphore_mem>>) src(%dma_wait3A_44 : memref<2000xf32, #tpu.memory_space<hbm>>) dst(%arg12 : memref<2000xf32, #tpu.memory_space<vmem>>)
    %dma_wait3A_45 = arith.constant 0 : i32
    %dma_wait3A_46 = tpu.memref_slice %arg4[%dma_wait3A_45] : memref<1600000xf32, #tpu.memory_space<hbm>> -> memref<2000xf32, #tpu.memory_space<hbm>>
    %dma_wait3A_47 = arith.constant 0 : i32
    %dma_wait3A_48 = tpu.memref_slice %arg4[%dma_wait3A_47] : memref<1600000xf32, #tpu.memory_space<hbm>> -> memref<2000xf32, #tpu.memory_space<hbm>>
    tpu.wait_dma2 semaphore(%arg19 : memref<!tpu.dma_semaphore, #tpu.memory_space<semaphore_mem>>) src(%dma_wait3A_48 : memref<2000xf32, #tpu.memory_space<hbm>>) dst(%arg14 : memref<2000xf32, #tpu.memory_space<vmem>>)
    %scan3A_49 = arith.constant 0 : i32
    %scan3A_50 = arith.constant 0 : i32
    %scan3A_51 = arith.constant 125 : i32
    %scan3A_52 = arith.addi %scan3A_50, %scan3A_51 : i32
    %scan3A_53 = arith.constant 1 : i32
    scf.for %scan3A_67 = %scan3A_50 to %scan3A_52 step %scan3A_53  : i32 {
      %mul3A_68 = arith.constant 16 : i32
      %mul3A_69 = arith.muli %scan3A_67, %mul3A_68 : i32
      %get3A = arith.index_cast %mul3A_69 : i32 to index
      %get3A_70 = tpu.vector_load %arg10[%get3A] {strides = array<i32>} : memref<2000xf32, #tpu.memory_space<vmem>>, vector<16xf32>,
      %get3A_71 = arith.index_cast %mul3A_69 : i32 to index
      %get3A_72 = tpu.vector_load %arg12[%get3A_71] {strides = array<i32>} : memref<2000xf32, #tpu.memory_space<vmem>>, vector<16xf32>,
      %get3A_73 = arith.index_cast %mul3A_69 : i32 to index
      %get3A_74 = tpu.vector_load %arg14[%get3A_73] {strides = array<i32>} : memref<2000xf32, #tpu.memory_space<vmem>>, vector<16xf32>,
      %mul3A_75 = arith.mulf %get3A_70, %get3A_70 : vector<16xf32>
      %mul3A_76 = arith.mulf %get3A_72, %get3A_72 : vector<16xf32>
      %add3A_77 = arith.addf %mul3A_75, %mul3A_76 : vector<16xf32>
      %mul3A_78 = arith.mulf %get3A_74, %get3A_74 : vector<16xf32>
      %add3A_79 = arith.addf %add3A_77, %mul3A_78 : vector<16xf32>
      %bitcast3A = vector.bitcast %add3A_79 : vector<16xf32> to vector<16xi32>
      %shift_right_logical3A = arith.constant 1 : i32
      %shift_right_logical3A_80 = vector.broadcast %shift_right_logical3A : i32 to vector<16xi32>
      %shift_right_logical3A_81 = arith.shrui %bitcast3A, %shift_right_logical3A_80 : vector<16xi32>
      %sub3A = arith.constant 1597463007 : i32
      %sub3A_82 = vector.broadcast %sub3A : i32 to vector<16xi32>
      %sub3A_83 = arith.subi %sub3A_82, %shift_right_logical3A_81 : vector<16xi32>
      %bitcast3A_84 = vector.bitcast %sub3A_83 : vector<16xi32> to vector<16xf32>
      %mul3A_85 = arith.constant 5.000000e-01 : f32
      %mul3A_86 = vector.broadcast %mul3A_85 : f32 to vector<16xf32>
      %mul3A_87 = arith.mulf %mul3A_86, %add3A_79 : vector<16xf32>
      %mul3A_88 = arith.mulf %mul3A_87, %bitcast3A_84 : vector<16xf32>
      %mul3A_89 = arith.mulf %mul3A_88, %bitcast3A_84 : vector<16xf32>
      %sub3A_90 = arith.constant 1.500000e+00 : f32
      %sub3A_91 = vector.broadcast %sub3A_90 : f32 to vector<16xf32>
      %sub3A_92 = arith.subf %sub3A_91, %mul3A_89 : vector<16xf32>
      %mul3A_93 = arith.mulf %bitcast3A_84, %sub3A_92 : vector<16xf32>
      %mul3A_94 = arith.mulf %mul3A_87, %mul3A_93 : vector<16xf32>
      %mul3A_95 = arith.mulf %mul3A_94, %mul3A_93 : vector<16xf32>
      %sub3A_96 = arith.constant 1.500000e+00 : f32
      %sub3A_97 = vector.broadcast %sub3A_96 : f32 to vector<16xf32>
      %sub3A_98 = arith.subf %sub3A_97, %mul3A_95 : vector<16xf32>
      %mul3A_99 = arith.mulf %mul3A_93, %sub3A_98 : vector<16xf32>
      %mul3A_100 = arith.mulf %mul3A_99, %mul3A_99 : vector<16xf32>
      %mul3A_101 = arith.constant 9.99999993E-9 : f32
      %mul3A_102 = vector.broadcast %mul3A_101 : f32 to vector<16xf32>
      %mul3A_103 = arith.mulf %mul3A_102, %mul3A_100 : vector<16xf32>
      %sub3A_104 = arith.subf %mul3A_99, %mul3A_103 : vector<16xf32>
      %mul3A_105 = arith.constant 16 : i32
      %mul3A_106 = arith.muli %scan3A_67, %mul3A_105 : i32
      %add3A_107 = vector.broadcast %mul3A_106 : i32 to vector<16xi32>
      %add3A_108 = arith.addi %iota3A, %add3A_107 : vector<16xi32>
      %mul3A_109 = arith.mulf %get3A_70, %sub3A_104 : vector<16xf32>
      tpu.vector_store_idx %arg16[%add3A_108, %broadcast_in_dim3A_3], %mul3A_109 : memref<2000x8xf32, #tpu.memory_space<vmem>>[vector<16xi32>, vector<16xi32>], vector<16xf32>,
      %mul3A_110 = arith.mulf %get3A_72, %sub3A_104 : vector<16xf32>
      tpu.vector_store_idx %arg16[%add3A_108, %add3A_6], %mul3A_110 : memref<2000x8xf32, #tpu.memory_space<vmem>>[vector<16xi32>, vector<16xi32>], vector<16xf32>,
      %mul3A_111 = arith.mulf %get3A_74, %sub3A_104 : vector<16xf32>
      tpu.vector_store_idx %arg16[%add3A_108, %add3A_9], %mul3A_111 : memref<2000x8xf32, #tpu.memory_space<vmem>>[vector<16xi32>, vector<16xi32>], vector<16xf32>,
      tpu.vector_store_idx %arg16[%add3A_108, %add3A_12], %broadcast_in_dim3A_14 : memref<2000x8xf32, #tpu.memory_space<vmem>>[vector<16xi32>, vector<16xi32>], vector<16xf32>,
    }
    %scan3A_54 = arith.constant 125 : i32
    %dma_start3A_55 = arith.constant 0 : i32
    %dma_start3A_56 = arith.constant 0 : i32
    %dma_start3A_57 = tpu.memref_slice %arg18[%dma_start3A_55, %dma_start3A_56] : memref<50000x8xf32, #tpu.memory_space<vmem_shared>> -> memref<50000x8xf32, #tpu.memory_space<vmem_shared>>
    tpu.enqueue_indirect_dma source(%arg16 : memref<2000x8xf32, #tpu.memory_space<vmem>>) target(%dma_start3A_57 : memref<50000x8xf32, #tpu.memory_space<vmem_shared>>) offsets(%arg8 : memref<2000xi32, #tpu.memory_space<vmem>>) semaphore(%arg21 : memref<!tpu.dma_semaphore, #tpu.memory_space<semaphore_mem>>) {add = true}
    %dma_wait3A_58 = arith.constant 0 : i32
    %dma_wait3A_59 = arith.constant 0 : i32
    %dma_wait3A_60 = tpu.memref_slice %arg18[%dma_wait3A_58, %dma_wait3A_59] : memref<50000x8xf32, #tpu.memory_space<vmem_shared>> -> memref<50000x8xf32, #tpu.memory_space<vmem_shared>>
    tpu.wait_indirect_dma semaphore(%arg21 : memref<!tpu.dma_semaphore, #tpu.memory_space<semaphore_mem>>) src(%arg16 : memref<2000x8xf32, #tpu.memory_space<vmem>>) dst(%dma_wait3A_60 : memref<50000x8xf32, #tpu.memory_space<vmem_shared>>)
    %barrier3A_61 = arith.constant 0 : index
    tpu.barrier barrier_id(%barrier3A_61)
    %eq3A_62 = arith.constant 0 : i32
    %eq3A_63 = arith.cmpi eq, %arg1, %eq3A_62 : i32
    %convert_element_type3A_64 = arith.extui %eq3A_63 : i1 to i32
    %cond3A_65 = arith.constant 0 : i32
    %cond3A_66 = arith.cmpi ne, %convert_element_type3A_64, %cond3A_65 : i32
    scf.if %cond3A_66 {
      "tpu.region"() ({
        %run_scoped3A = tpu.sem_alloc : memref<!tpu.dma_semaphore, #tpu.memory_space<semaphore_mem>>
        %dma_start3A_67 = arith.constant 0 : i32
        %dma_start3A_68 = arith.constant 0 : i32
        %dma_start3A_69 = tpu.memref_slice %arg7[%arg0, %dma_start3A_67, %dma_start3A_68] : memref<2x50000x8xf32, #tpu.memory_space<hbm>> -> memref<1x50000x8xf32, #tpu.memory_space<hbm>>
        %dma_start3A_70 = tpu.memref_squeeze %dma_start3A_69 : memref<1x50000x8xf32, #tpu.memory_space<hbm>> -> memref<50000x8xf32, #tpu.memory_space<hbm>>
        tpu.enqueue_dma source(%arg18 : memref<50000x8xf32, #tpu.memory_space<vmem_shared>>) target(%dma_start3A_70 : memref<50000x8xf32, #tpu.memory_space<hbm>>) target_semaphore(%run_scoped3A : memref<!tpu.dma_semaphore, #tpu.memory_space<semaphore_mem>>)
        %dma_wait3A_71 = arith.constant 0 : i32
        %dma_wait3A_72 = arith.constant 0 : i32
        %dma_wait3A_73 = tpu.memref_slice %arg7[%arg0, %dma_wait3A_71, %dma_wait3A_72] : memref<2x50000x8xf32, #tpu.memory_space<hbm>> -> memref<1x50000x8xf32, #tpu.memory_space<hbm>>
        %dma_wait3A_74 = tpu.memref_squeeze %dma_wait3A_73 : memref<1x50000x8xf32, #tpu.memory_space<hbm>> -> memref<50000x8xf32, #tpu.memory_space<hbm>>
        tpu.wait_dma2 semaphore(%run_scoped3A : memref<!tpu.dma_semaphore, #tpu.memory_space<semaphore_mem>>) src(%arg18 : memref<50000x8xf32, #tpu.memory_space<vmem_shared>>) dst(%dma_wait3A_74 : memref<50000x8xf32, #tpu.memory_space<hbm>>)
        tpu.yield
      }) : () -> ()
    } else {
    }
    return
  }
}

#map = affine_map<(d0, d1) -> (0, 0, 0)>
#map1 = affine_map<(d0, d1) -> (0)>
module attributes {stable_mosaic.version = 14 : i64} {
  func.func @_gather_k(%arg0: i32, %arg1: i32, %arg2: memref<2x50000x8xf32, #tpu.memory_space<hbm>>, %arg3: memref<1600000xi32, #tpu.memory_space<hbm>>, %arg4: memref<1600000xf32, #tpu.memory_space<hbm>>, %arg5: memref<1600000xf32, #tpu.memory_space<hbm>>, %arg6: memref<1600000xf32, #tpu.memory_space<hbm>>, %arg7: memref<2000xi32, #tpu.memory_space<vmem>>, %arg8: memref<2000xi32, #tpu.memory_space<vmem>>, %arg9: memref<2000x8xf32, #tpu.memory_space<vmem>>, %arg10: memref<2000x8xf32, #tpu.memory_space<vmem>>, %arg11: memref<2000xf32, #tpu.memory_space<vmem>>, %arg12: memref<2000xf32, #tpu.memory_space<vmem>>, %arg13: memref<2000xf32, #tpu.memory_space<vmem>>, %arg14: memref<2000xf32, #tpu.memory_space<vmem>>, %arg15: memref<2000xf32, #tpu.memory_space<vmem>>, %arg16: memref<2000xf32, #tpu.memory_space<vmem>>, %arg17: memref<3200x8xf32, #tpu.memory_space<vmem>>, %arg18: memref<3200x8xf32, #tpu.memory_space<vmem>>, %arg19: memref<50000x8xf32, #tpu.memory_space<vmem_shared>>, %arg20: memref<!tpu.dma_semaphore, #tpu.memory_space<semaphore_mem>>, %arg21: memref<!tpu.dma_semaphore, #tpu.memory_space<semaphore_mem>>, %arg22: memref<!tpu.dma_semaphore, #tpu.memory_space<semaphore_mem>>, %arg23: memref<!tpu.dma_semaphore, #tpu.memory_space<semaphore_mem>>) attributes {dimension_semantics = [#tpu.dimension_semantics<core_parallel>, #tpu.dimension_semantics<subcore_parallel>], iteration_bounds = array<i64: 2, 16>, scalar_prefetch = 0 : i64, scratch_operands = 17 : i64, tpu.core_type = #tpu.core_type<sc_vector_subcore>, window_params = [{transform_indices = #map}, {transform_indices = #map1}, {transform_indices = #map1}, {transform_indices = #map1}, {transform_indices = #map1}]} {
    %mul3A = arith.constant 2 : i32
    %mul3A_0 = arith.muli %arg1, %mul3A : i32
    %add3A = arith.addi %mul3A_0, %arg0 : i32
    %mul3A_1 = arith.constant 3200 : i32
    %mul3A_2 = arith.muli %arg1, %mul3A_1 : i32
    %iota3A = tpu.iota {dimensions = array<i32: 0>} : vector<16xi32>
    %shift_right_logical3A = arith.constant 3 : i32
    %shift_right_logical3A_3 = vector.broadcast %shift_right_logical3A : i32 to vector<16xi32>
    %shift_right_logical3A_4 = arith.shrui %iota3A, %shift_right_logical3A_3 : vector<16xi32>
    %and3A = arith.constant 7 : i32
    %and3A_5 = vector.broadcast %and3A : i32 to vector<16xi32>
    %and3A_6 = arith.andi %iota3A, %and3A_5 : vector<16xi32>
    %broadcast_in_dim3A = arith.constant 0 : i32
    %broadcast_in_dim3A_7 = vector.broadcast %broadcast_in_dim3A : i32 to vector<16xi32>
    %add3A_8 = arith.constant 3 : i32
    %add3A_9 = vector.broadcast %add3A_8 : i32 to vector<16xi32>
    %add3A_10 = arith.addi %broadcast_in_dim3A_7, %add3A_9 : vector<16xi32>
    %lt3A = arith.constant 15 : i32
    %lt3A_11 = arith.cmpi slt, %arg1, %lt3A : i32
    %convert_element_type3A = arith.extui %lt3A_11 : i1 to i32
    %cond3A = arith.constant 0 : i32
    %cond3A_12 = arith.cmpi ne, %convert_element_type3A, %cond3A : i32
    scf.if %cond3A_12 {
      %run_scoped3A = arith.constant 0 : i32
      "tpu.region"() ({
        %run_scoped3A_101 = tpu.sem_alloc : memref<!tpu.dma_semaphore, #tpu.memory_space<semaphore_mem>>
        %dma_start3A_102 = arith.constant 0 : i32
        %dma_start3A_103 = arith.constant 0 : i32
        %dma_start3A_104 = tpu.memref_slice %arg17[%dma_start3A_102, %dma_start3A_103] : memref<3200x8xf32, #tpu.memory_space<vmem>> -> memref<3200x8xf32, #tpu.memory_space<vmem>>
        %dma_start3A_105 = arith.constant 0 : i32
        %dma_start3A_106 = tpu.memref_slice %arg2[%run_scoped3A, %mul3A_2, %dma_start3A_105] : memref<2x50000x8xf32, #tpu.memory_space<hbm>> -> memref<1x3200x8xf32, #tpu.memory_space<hbm>>
        %dma_start3A_107 = tpu.memref_squeeze %dma_start3A_106 : memref<1x3200x8xf32, #tpu.memory_space<hbm>> -> memref<3200x8xf32, #tpu.memory_space<hbm>>
        %dma_start3A_108 = arith.constant 0 : i32
        %dma_start3A_109 = arith.constant 0 : i32
        %dma_start3A_110 = tpu.memref_slice %arg17[%dma_start3A_108, %dma_start3A_109] : memref<3200x8xf32, #tpu.memory_space<vmem>> -> memref<3200x8xf32, #tpu.memory_space<vmem>>
        %dma_start3A_111 = arith.constant 0 : i32
        %dma_start3A_112 = tpu.memref_slice %arg2[%run_scoped3A, %mul3A_2, %dma_start3A_111] : memref<2x50000x8xf32, #tpu.memory_space<hbm>> -> memref<1x3200x8xf32, #tpu.memory_space<hbm>>
        %dma_start3A_113 = tpu.memref_squeeze %dma_start3A_112 : memref<1x3200x8xf32, #tpu.memory_space<hbm>> -> memref<3200x8xf32, #tpu.memory_space<hbm>>
        tpu.enqueue_dma source(%dma_start3A_113 : memref<3200x8xf32, #tpu.memory_space<hbm>>) target(%dma_start3A_110 : memref<3200x8xf32, #tpu.memory_space<vmem>>) target_semaphore(%run_scoped3A_101 : memref<!tpu.dma_semaphore, #tpu.memory_space<semaphore_mem>>)
        %dma_wait3A_114 = arith.constant 0 : i32
        %dma_wait3A_115 = arith.constant 0 : i32
        %dma_wait3A_116 = tpu.memref_slice %arg17[%dma_wait3A_114, %dma_wait3A_115] : memref<3200x8xf32, #tpu.memory_space<vmem>> -> memref<3200x8xf32, #tpu.memory_space<vmem>>
        %dma_wait3A_117 = arith.constant 0 : i32
        %dma_wait3A_118 = tpu.memref_slice %arg2[%run_scoped3A, %mul3A_2, %dma_wait3A_117] : memref<2x50000x8xf32, #tpu.memory_space<hbm>> -> memref<1x3200x8xf32, #tpu.memory_space<hbm>>
        %dma_wait3A_119 = tpu.memref_squeeze %dma_wait3A_118 : memref<1x3200x8xf32, #tpu.memory_space<hbm>> -> memref<3200x8xf32, #tpu.memory_space<hbm>>
        %dma_wait3A_120 = arith.constant 0 : i32
        %dma_wait3A_121 = arith.constant 0 : i32
        %dma_wait3A_122 = tpu.memref_slice %arg17[%dma_wait3A_120, %dma_wait3A_121] : memref<3200x8xf32, #tpu.memory_space<vmem>> -> memref<3200x8xf32, #tpu.memory_space<vmem>>
        %dma_wait3A_123 = arith.constant 0 : i32
        %dma_wait3A_124 = tpu.memref_slice %arg2[%run_scoped3A, %mul3A_2, %dma_wait3A_123] : memref<2x50000x8xf32, #tpu.memory_space<hbm>> -> memref<1x3200x8xf32, #tpu.memory_space<hbm>>
        %dma_wait3A_125 = tpu.memref_squeeze %dma_wait3A_124 : memref<1x3200x8xf32, #tpu.memory_space<hbm>> -> memref<3200x8xf32, #tpu.memory_space<hbm>>
        tpu.wait_dma2 semaphore(%run_scoped3A_101 : memref<!tpu.dma_semaphore, #tpu.memory_space<semaphore_mem>>) src(%dma_wait3A_125 : memref<3200x8xf32, #tpu.memory_space<hbm>>) dst(%dma_wait3A_122 : memref<3200x8xf32, #tpu.memory_space<vmem>>)
        tpu.yield
      }) : () -> ()
      %run_scoped3A_94 = arith.constant 1 : i32
      "tpu.region"() ({
        %run_scoped3A_101 = tpu.sem_alloc : memref<!tpu.dma_semaphore, #tpu.memory_space<semaphore_mem>>
        %dma_start3A_102 = arith.constant 0 : i32
        %dma_start3A_103 = arith.constant 0 : i32
        %dma_start3A_104 = tpu.memref_slice %arg18[%dma_start3A_102, %dma_start3A_103] : memref<3200x8xf32, #tpu.memory_space<vmem>> -> memref<3200x8xf32, #tpu.memory_space<vmem>>
        %dma_start3A_105 = arith.constant 0 : i32
        %dma_start3A_106 = tpu.memref_slice %arg2[%run_scoped3A_94, %mul3A_2, %dma_start3A_105] : memref<2x50000x8xf32, #tpu.memory_space<hbm>> -> memref<1x3200x8xf32, #tpu.memory_space<hbm>>
        %dma_start3A_107 = tpu.memref_squeeze %dma_start3A_106 : memref<1x3200x8xf32, #tpu.memory_space<hbm>> -> memref<3200x8xf32, #tpu.memory_space<hbm>>
        %dma_start3A_108 = arith.constant 0 : i32
        %dma_start3A_109 = arith.constant 0 : i32
        %dma_start3A_110 = tpu.memref_slice %arg18[%dma_start3A_108, %dma_start3A_109] : memref<3200x8xf32, #tpu.memory_space<vmem>> -> memref<3200x8xf32, #tpu.memory_space<vmem>>
        %dma_start3A_111 = arith.constant 0 : i32
        %dma_start3A_112 = tpu.memref_slice %arg2[%run_scoped3A_94, %mul3A_2, %dma_start3A_111] : memref<2x50000x8xf32, #tpu.memory_space<hbm>> -> memref<1x3200x8xf32, #tpu.memory_space<hbm>>
        %dma_start3A_113 = tpu.memref_squeeze %dma_start3A_112 : memref<1x3200x8xf32, #tpu.memory_space<hbm>> -> memref<3200x8xf32, #tpu.memory_space<hbm>>
        tpu.enqueue_dma source(%dma_start3A_113 : memref<3200x8xf32, #tpu.memory_space<hbm>>) target(%dma_start3A_110 : memref<3200x8xf32, #tpu.memory_space<vmem>>) target_semaphore(%run_scoped3A_101 : memref<!tpu.dma_semaphore, #tpu.memory_space<semaphore_mem>>)
        %dma_wait3A_114 = arith.constant 0 : i32
        %dma_wait3A_115 = arith.constant 0 : i32
        %dma_wait3A_116 = tpu.memref_slice %arg18[%dma_wait3A_114, %dma_wait3A_115] : memref<3200x8xf32, #tpu.memory_space<vmem>> -> memref<3200x8xf32, #tpu.memory_space<vmem>>
        %dma_wait3A_117 = arith.constant 0 : i32
        %dma_wait3A_118 = tpu.memref_slice %arg2[%run_scoped3A_94, %mul3A_2, %dma_wait3A_117] : memref<2x50000x8xf32, #tpu.memory_space<hbm>> -> memref<1x3200x8xf32, #tpu.memory_space<hbm>>
        %dma_wait3A_119 = tpu.memref_squeeze %dma_wait3A_118 : memref<1x3200x8xf32, #tpu.memory_space<hbm>> -> memref<3200x8xf32, #tpu.memory_space<hbm>>
        %dma_wait3A_120 = arith.constant 0 : i32
        %dma_wait3A_121 = arith.constant 0 : i32
        %dma_wait3A_122 = tpu.memref_slice %arg18[%dma_wait3A_120, %dma_wait3A_121] : memref<3200x8xf32, #tpu.memory_space<vmem>> -> memref<3200x8xf32, #tpu.memory_space<vmem>>
        %dma_wait3A_123 = arith.constant 0 : i32
        %dma_wait3A_124 = tpu.memref_slice %arg2[%run_scoped3A_94, %mul3A_2, %dma_wait3A_123] : memref<2x50000x8xf32, #tpu.memory_space<hbm>> -> memref<1x3200x8xf32, #tpu.memory_space<hbm>>
        %dma_wait3A_125 = tpu.memref_squeeze %dma_wait3A_124 : memref<1x3200x8xf32, #tpu.memory_space<hbm>> -> memref<3200x8xf32, #tpu.memory_space<hbm>>
        tpu.wait_dma2 semaphore(%run_scoped3A_101 : memref<!tpu.dma_semaphore, #tpu.memory_space<semaphore_mem>>) src(%dma_wait3A_125 : memref<3200x8xf32, #tpu.memory_space<hbm>>) dst(%dma_wait3A_122 : memref<3200x8xf32, #tpu.memory_space<vmem>>)
        tpu.yield
      }) : () -> ()
      %scan3A_95 = arith.constant 0 : i32
      %scan3A_96 = arith.constant 0 : i32
      %scan3A_97 = arith.constant 1600 : i32
      %scan3A_98 = arith.addi %scan3A_96, %scan3A_97 : i32
      %scan3A_99 = arith.constant 1 : i32
      scf.for %scan3A_101 = %scan3A_96 to %scan3A_98 step %scan3A_99  : i32 {
        %mul3A_102 = arith.constant 2 : i32
        %mul3A_103 = arith.muli %mul3A_102, %scan3A_101 : i32
        %add3A_104 = vector.broadcast %mul3A_103 : i32 to vector<16xi32>
        %add3A_105 = arith.addi %shift_right_logical3A_4, %add3A_104 : vector<16xi32>
        %gather3A = tpu.vector_load_idx %arg17[%add3A_105, %and3A_6] : memref<3200x8xf32, #tpu.memory_space<vmem>>[vector<16xi32>, vector<16xi32>], vector<16xf32>,
        %gather3A_106 = tpu.vector_load_idx %arg18[%add3A_105, %and3A_6] : memref<3200x8xf32, #tpu.memory_space<vmem>>[vector<16xi32>, vector<16xi32>], vector<16xf32>,
        %add3A_107 = arith.addf %gather3A, %gather3A_106 : vector<16xf32>
        %gather3A_108 = tpu.vector_load_idx %arg17[%add3A_105, %add3A_10] : memref<3200x8xf32, #tpu.memory_space<vmem>>[vector<16xi32>, vector<16xi32>], vector<16xf32>,
        %gather3A_109 = tpu.vector_load_idx %arg18[%add3A_105, %add3A_10] : memref<3200x8xf32, #tpu.memory_space<vmem>>[vector<16xi32>, vector<16xi32>], vector<16xf32>,
        %add3A_110 = arith.addf %gather3A_108, %gather3A_109 : vector<16xf32>
        %max3A = arith.constant 1.000000e+00 : f32
        %max3A_111 = vector.broadcast %max3A : f32 to vector<16xf32>
        %max3A_112 = arith.maximumf %add3A_110, %max3A_111 : vector<16xf32>
        %div3A = arith.constant 1.000000e+00 : f32
        %div3A_113 = vector.broadcast %div3A : f32 to vector<16xf32>
        %div3A_114 = arith.divf %div3A_113, %max3A_112 : vector<16xf32>
        %mul3A_115 = arith.mulf %add3A_107, %div3A_114 : vector<16xf32>
        tpu.vector_store_idx %arg17[%add3A_105, %and3A_6], %mul3A_115 : memref<3200x8xf32, #tpu.memory_space<vmem>>[vector<16xi32>, vector<16xi32>], vector<16xf32>,
      }
      %scan3A_100 = arith.constant 1600 : i32
      "tpu.region"() ({
        %run_scoped3A_101 = tpu.sem_alloc : memref<!tpu.dma_semaphore, #tpu.memory_space<semaphore_mem>>
        %dma_start3A_102 = arith.constant 0 : i32
        %dma_start3A_103 = arith.constant 0 : i32
        %dma_start3A_104 = tpu.memref_slice %arg17[%dma_start3A_102, %dma_start3A_103] : memref<3200x8xf32, #tpu.memory_space<vmem>> -> memref<3200x8xf32, #tpu.memory_space<vmem>>
        %dma_start3A_105 = arith.constant 0 : i32
        %dma_start3A_106 = tpu.memref_slice %arg19[%mul3A_2, %dma_start3A_105] : memref<50000x8xf32, #tpu.memory_space<vmem_shared>> -> memref<3200x8xf32, #tpu.memory_space<vmem_shared>>
        %dma_start3A_107 = arith.constant 0 : i32
        %dma_start3A_108 = tpu.memref_slice %arg19[%mul3A_2, %dma_start3A_107] : memref<50000x8xf32, #tpu.memory_space<vmem_shared>> -> memref<3200x8xf32, #tpu.memory_space<vmem_shared>>
        %dma_start3A_109 = arith.constant 0 : i32
        %dma_start3A_110 = arith.constant 0 : i32
        %dma_start3A_111 = tpu.memref_slice %arg17[%dma_start3A_109, %dma_start3A_110] : memref<3200x8xf32, #tpu.memory_space<vmem>> -> memref<3200x8xf32, #tpu.memory_space<vmem>>
        tpu.enqueue_dma source(%dma_start3A_111 : memref<3200x8xf32, #tpu.memory_space<vmem>>) target(%dma_start3A_108 : memref<3200x8xf32, #tpu.memory_space<vmem_shared>>) target_semaphore(%run_scoped3A_101 : memref<!tpu.dma_semaphore, #tpu.memory_space<semaphore_mem>>)
        %dma_wait3A_112 = arith.constant 0 : i32
        %dma_wait3A_113 = arith.constant 0 : i32
        %dma_wait3A_114 = tpu.memref_slice %arg17[%dma_wait3A_112, %dma_wait3A_113] : memref<3200x8xf32, #tpu.memory_space<vmem>> -> memref<3200x8xf32, #tpu.memory_space<vmem>>
        %dma_wait3A_115 = arith.constant 0 : i32
        %dma_wait3A_116 = tpu.memref_slice %arg19[%mul3A_2, %dma_wait3A_115] : memref<50000x8xf32, #tpu.memory_space<vmem_shared>> -> memref<3200x8xf32, #tpu.memory_space<vmem_shared>>
        %dma_wait3A_117 = arith.constant 0 : i32
        %dma_wait3A_118 = tpu.memref_slice %arg19[%mul3A_2, %dma_wait3A_117] : memref<50000x8xf32, #tpu.memory_space<vmem_shared>> -> memref<3200x8xf32, #tpu.memory_space<vmem_shared>>
        %dma_wait3A_119 = arith.constant 0 : i32
        %dma_wait3A_120 = arith.constant 0 : i32
        %dma_wait3A_121 = tpu.memref_slice %arg17[%dma_wait3A_119, %dma_wait3A_120] : memref<3200x8xf32, #tpu.memory_space<vmem>> -> memref<3200x8xf32, #tpu.memory_space<vmem>>
        tpu.wait_dma2 semaphore(%run_scoped3A_101 : memref<!tpu.dma_semaphore, #tpu.memory_space<semaphore_mem>>) src(%dma_wait3A_121 : memref<3200x8xf32, #tpu.memory_space<vmem>>) dst(%dma_wait3A_118 : memref<3200x8xf32, #tpu.memory_space<vmem_shared>>)
        tpu.yield
      }) : () -> ()
    } else {
    }
    %eq3A = arith.constant 15 : i32
    %eq3A_13 = arith.cmpi eq, %arg1, %eq3A : i32
    %convert_element_type3A_14 = arith.extui %eq3A_13 : i1 to i32
    %cond3A_15 = arith.constant 0 : i32
    %cond3A_16 = arith.cmpi ne, %convert_element_type3A_14, %cond3A_15 : i32
    scf.if %cond3A_16 {
      %run_scoped3A = arith.constant 0 : i32
      "tpu.region"() ({
        %run_scoped3A_101 = tpu.sem_alloc : memref<!tpu.dma_semaphore, #tpu.memory_space<semaphore_mem>>
        %dma_start3A_102 = arith.constant 0 : i32
        %dma_start3A_103 = arith.constant 0 : i32
        %dma_start3A_104 = tpu.memref_slice %arg17[%dma_start3A_102, %dma_start3A_103] : memref<3200x8xf32, #tpu.memory_space<vmem>> -> memref<2000x8xf32, #tpu.memory_space<vmem>>
        %dma_start3A_105 = arith.constant 0 : i32
        %dma_start3A_106 = tpu.memref_slice %arg2[%run_scoped3A, %mul3A_2, %dma_start3A_105] : memref<2x50000x8xf32, #tpu.memory_space<hbm>> -> memref<1x2000x8xf32, #tpu.memory_space<hbm>>
        %dma_start3A_107 = tpu.memref_squeeze %dma_start3A_106 : memref<1x2000x8xf32, #tpu.memory_space<hbm>> -> memref<2000x8xf32, #tpu.memory_space<hbm>>
        %dma_start3A_108 = arith.constant 0 : i32
        %dma_start3A_109 = arith.constant 0 : i32
        %dma_start3A_110 = tpu.memref_slice %arg17[%dma_start3A_108, %dma_start3A_109] : memref<3200x8xf32, #tpu.memory_space<vmem>> -> memref<2000x8xf32, #tpu.memory_space<vmem>>
        %dma_start3A_111 = arith.constant 0 : i32
        %dma_start3A_112 = tpu.memref_slice %arg2[%run_scoped3A, %mul3A_2, %dma_start3A_111] : memref<2x50000x8xf32, #tpu.memory_space<hbm>> -> memref<1x2000x8xf32, #tpu.memory_space<hbm>>
        %dma_start3A_113 = tpu.memref_squeeze %dma_start3A_112 : memref<1x2000x8xf32, #tpu.memory_space<hbm>> -> memref<2000x8xf32, #tpu.memory_space<hbm>>
        tpu.enqueue_dma source(%dma_start3A_113 : memref<2000x8xf32, #tpu.memory_space<hbm>>) target(%dma_start3A_110 : memref<2000x8xf32, #tpu.memory_space<vmem>>) target_semaphore(%run_scoped3A_101 : memref<!tpu.dma_semaphore, #tpu.memory_space<semaphore_mem>>)
        %dma_wait3A_114 = arith.constant 0 : i32
        %dma_wait3A_115 = arith.constant 0 : i32
        %dma_wait3A_116 = tpu.memref_slice %arg17[%dma_wait3A_114, %dma_wait3A_115] : memref<3200x8xf32, #tpu.memory_space<vmem>> -> memref<2000x8xf32, #tpu.memory_space<vmem>>
        %dma_wait3A_117 = arith.constant 0 : i32
        %dma_wait3A_118 = tpu.memref_slice %arg2[%run_scoped3A, %mul3A_2, %dma_wait3A_117] : memref<2x50000x8xf32, #tpu.memory_space<hbm>> -> memref<1x2000x8xf32, #tpu.memory_space<hbm>>
        %dma_wait3A_119 = tpu.memref_squeeze %dma_wait3A_118 : memref<1x2000x8xf32, #tpu.memory_space<hbm>> -> memref<2000x8xf32, #tpu.memory_space<hbm>>
        %dma_wait3A_120 = arith.constant 0 : i32
        %dma_wait3A_121 = arith.constant 0 : i32
        %dma_wait3A_122 = tpu.memref_slice %arg17[%dma_wait3A_120, %dma_wait3A_121] : memref<3200x8xf32, #tpu.memory_space<vmem>> -> memref<2000x8xf32, #tpu.memory_space<vmem>>
        %dma_wait3A_123 = arith.constant 0 : i32
        %dma_wait3A_124 = tpu.memref_slice %arg2[%run_scoped3A, %mul3A_2, %dma_wait3A_123] : memref<2x50000x8xf32, #tpu.memory_space<hbm>> -> memref<1x2000x8xf32, #tpu.memory_space<hbm>>
        %dma_wait3A_125 = tpu.memref_squeeze %dma_wait3A_124 : memref<1x2000x8xf32, #tpu.memory_space<hbm>> -> memref<2000x8xf32, #tpu.memory_space<hbm>>
        tpu.wait_dma2 semaphore(%run_scoped3A_101 : memref<!tpu.dma_semaphore, #tpu.memory_space<semaphore_mem>>) src(%dma_wait3A_125 : memref<2000x8xf32, #tpu.memory_space<hbm>>) dst(%dma_wait3A_122 : memref<2000x8xf32, #tpu.memory_space<vmem>>)
        tpu.yield
      }) : () -> ()
      %run_scoped3A_94 = arith.constant 1 : i32
      "tpu.region"() ({
        %run_scoped3A_101 = tpu.sem_alloc : memref<!tpu.dma_semaphore, #tpu.memory_space<semaphore_mem>>
        %dma_start3A_102 = arith.constant 0 : i32
        %dma_start3A_103 = arith.constant 0 : i32
        %dma_start3A_104 = tpu.memref_slice %arg18[%dma_start3A_102, %dma_start3A_103] : memref<3200x8xf32, #tpu.memory_space<vmem>> -> memref<2000x8xf32, #tpu.memory_space<vmem>>
        %dma_start3A_105 = arith.constant 0 : i32
        %dma_start3A_106 = tpu.memref_slice %arg2[%run_scoped3A_94, %mul3A_2, %dma_start3A_105] : memref<2x50000x8xf32, #tpu.memory_space<hbm>> -> memref<1x2000x8xf32, #tpu.memory_space<hbm>>
        %dma_start3A_107 = tpu.memref_squeeze %dma_start3A_106 : memref<1x2000x8xf32, #tpu.memory_space<hbm>> -> memref<2000x8xf32, #tpu.memory_space<hbm>>
        %dma_start3A_108 = arith.constant 0 : i32
        %dma_start3A_109 = arith.constant 0 : i32
        %dma_start3A_110 = tpu.memref_slice %arg18[%dma_start3A_108, %dma_start3A_109] : memref<3200x8xf32, #tpu.memory_space<vmem>> -> memref<2000x8xf32, #tpu.memory_space<vmem>>
        %dma_start3A_111 = arith.constant 0 : i32
        %dma_start3A_112 = tpu.memref_slice %arg2[%run_scoped3A_94, %mul3A_2, %dma_start3A_111] : memref<2x50000x8xf32, #tpu.memory_space<hbm>> -> memref<1x2000x8xf32, #tpu.memory_space<hbm>>
        %dma_start3A_113 = tpu.memref_squeeze %dma_start3A_112 : memref<1x2000x8xf32, #tpu.memory_space<hbm>> -> memref<2000x8xf32, #tpu.memory_space<hbm>>
        tpu.enqueue_dma source(%dma_start3A_113 : memref<2000x8xf32, #tpu.memory_space<hbm>>) target(%dma_start3A_110 : memref<2000x8xf32, #tpu.memory_space<vmem>>) target_semaphore(%run_scoped3A_101 : memref<!tpu.dma_semaphore, #tpu.memory_space<semaphore_mem>>)
        %dma_wait3A_114 = arith.constant 0 : i32
        %dma_wait3A_115 = arith.constant 0 : i32
        %dma_wait3A_116 = tpu.memref_slice %arg18[%dma_wait3A_114, %dma_wait3A_115] : memref<3200x8xf32, #tpu.memory_space<vmem>> -> memref<2000x8xf32, #tpu.memory_space<vmem>>
        %dma_wait3A_117 = arith.constant 0 : i32
        %dma_wait3A_118 = tpu.memref_slice %arg2[%run_scoped3A_94, %mul3A_2, %dma_wait3A_117] : memref<2x50000x8xf32, #tpu.memory_space<hbm>> -> memref<1x2000x8xf32, #tpu.memory_space<hbm>>
        %dma_wait3A_119 = tpu.memref_squeeze %dma_wait3A_118 : memref<1x2000x8xf32, #tpu.memory_space<hbm>> -> memref<2000x8xf32, #tpu.memory_space<hbm>>
        %dma_wait3A_120 = arith.constant 0 : i32
        %dma_wait3A_121 = arith.constant 0 : i32
        %dma_wait3A_122 = tpu.memref_slice %arg18[%dma_wait3A_120, %dma_wait3A_121] : memref<3200x8xf32, #tpu.memory_space<vmem>> -> memref<2000x8xf32, #tpu.memory_space<vmem>>
        %dma_wait3A_123 = arith.constant 0 : i32
        %dma_wait3A_124 = tpu.memref_slice %arg2[%run_scoped3A_94, %mul3A_2, %dma_wait3A_123] : memref<2x50000x8xf32, #tpu.memory_space<hbm>> -> memref<1x2000x8xf32, #tpu.memory_space<hbm>>
        %dma_wait3A_125 = tpu.memref_squeeze %dma_wait3A_124 : memref<1x2000x8xf32, #tpu.memory_space<hbm>> -> memref<2000x8xf32, #tpu.memory_space<hbm>>
        tpu.wait_dma2 semaphore(%run_scoped3A_101 : memref<!tpu.dma_semaphore, #tpu.memory_space<semaphore_mem>>) src(%dma_wait3A_125 : memref<2000x8xf32, #tpu.memory_space<hbm>>) dst(%dma_wait3A_122 : memref<2000x8xf32, #tpu.memory_space<vmem>>)
        tpu.yield
      }) : () -> ()
      %scan3A_95 = arith.constant 0 : i32
      %scan3A_96 = arith.constant 0 : i32
      %scan3A_97 = arith.constant 1000 : i32
      %scan3A_98 = arith.addi %scan3A_96, %scan3A_97 : i32
      %scan3A_99 = arith.constant 1 : i32
      scf.for %scan3A_101 = %scan3A_96 to %scan3A_98 step %scan3A_99  : i32 {
        %mul3A_102 = arith.constant 2 : i32
        %mul3A_103 = arith.muli %mul3A_102, %scan3A_101 : i32
        %add3A_104 = vector.broadcast %mul3A_103 : i32 to vector<16xi32>
        %add3A_105 = arith.addi %shift_right_logical3A_4, %add3A_104 : vector<16xi32>
        %gather3A = tpu.vector_load_idx %arg17[%add3A_105, %and3A_6] : memref<3200x8xf32, #tpu.memory_space<vmem>>[vector<16xi32>, vector<16xi32>], vector<16xf32>,
        %gather3A_106 = tpu.vector_load_idx %arg18[%add3A_105, %and3A_6] : memref<3200x8xf32, #tpu.memory_space<vmem>>[vector<16xi32>, vector<16xi32>], vector<16xf32>,
        %add3A_107 = arith.addf %gather3A, %gather3A_106 : vector<16xf32>
        %gather3A_108 = tpu.vector_load_idx %arg17[%add3A_105, %add3A_10] : memref<3200x8xf32, #tpu.memory_space<vmem>>[vector<16xi32>, vector<16xi32>], vector<16xf32>,
        %gather3A_109 = tpu.vector_load_idx %arg18[%add3A_105, %add3A_10] : memref<3200x8xf32, #tpu.memory_space<vmem>>[vector<16xi32>, vector<16xi32>], vector<16xf32>,
        %add3A_110 = arith.addf %gather3A_108, %gather3A_109 : vector<16xf32>
        %max3A = arith.constant 1.000000e+00 : f32
        %max3A_111 = vector.broadcast %max3A : f32 to vector<16xf32>
        %max3A_112 = arith.maximumf %add3A_110, %max3A_111 : vector<16xf32>
        %div3A = arith.constant 1.000000e+00 : f32
        %div3A_113 = vector.broadcast %div3A : f32 to vector<16xf32>
        %div3A_114 = arith.divf %div3A_113, %max3A_112 : vector<16xf32>
        %mul3A_115 = arith.mulf %add3A_107, %div3A_114 : vector<16xf32>
        tpu.vector_store_idx %arg17[%add3A_105, %and3A_6], %mul3A_115 : memref<3200x8xf32, #tpu.memory_space<vmem>>[vector<16xi32>, vector<16xi32>], vector<16xf32>,
      }
      %scan3A_100 = arith.constant 1000 : i32
      "tpu.region"() ({
        %run_scoped3A_101 = tpu.sem_alloc : memref<!tpu.dma_semaphore, #tpu.memory_space<semaphore_mem>>
        %dma_start3A_102 = arith.constant 0 : i32
        %dma_start3A_103 = arith.constant 0 : i32
        %dma_start3A_104 = tpu.memref_slice %arg17[%dma_start3A_102, %dma_start3A_103] : memref<3200x8xf32, #tpu.memory_space<vmem>> -> memref<2000x8xf32, #tpu.memory_space<vmem>>
        %dma_start3A_105 = arith.constant 0 : i32
        %dma_start3A_106 = tpu.memref_slice %arg19[%mul3A_2, %dma_start3A_105] : memref<50000x8xf32, #tpu.memory_space<vmem_shared>> -> memref<2000x8xf32, #tpu.memory_space<vmem_shared>>
        %dma_start3A_107 = arith.constant 0 : i32
        %dma_start3A_108 = tpu.memref_slice %arg19[%mul3A_2, %dma_start3A_107] : memref<50000x8xf32, #tpu.memory_space<vmem_shared>> -> memref<2000x8xf32, #tpu.memory_space<vmem_shared>>
        %dma_start3A_109 = arith.constant 0 : i32
        %dma_start3A_110 = arith.constant 0 : i32
        %dma_start3A_111 = tpu.memref_slice %arg17[%dma_start3A_109, %dma_start3A_110] : memref<3200x8xf32, #tpu.memory_space<vmem>> -> memref<2000x8xf32, #tpu.memory_space<vmem>>
        tpu.enqueue_dma source(%dma_start3A_111 : memref<2000x8xf32, #tpu.memory_space<vmem>>) target(%dma_start3A_108 : memref<2000x8xf32, #tpu.memory_space<vmem_shared>>) target_semaphore(%run_scoped3A_101 : memref<!tpu.dma_semaphore, #tpu.memory_space<semaphore_mem>>)
        %dma_wait3A_112 = arith.constant 0 : i32
        %dma_wait3A_113 = arith.constant 0 : i32
        %dma_wait3A_114 = tpu.memref_slice %arg17[%dma_wait3A_112, %dma_wait3A_113] : memref<3200x8xf32, #tpu.memory_space<vmem>> -> memref<2000x8xf32, #tpu.memory_space<vmem>>
        %dma_wait3A_115 = arith.constant 0 : i32
        %dma_wait3A_116 = tpu.memref_slice %arg19[%mul3A_2, %dma_wait3A_115] : memref<50000x8xf32, #tpu.memory_space<vmem_shared>> -> memref<2000x8xf32, #tpu.memory_space<vmem_shared>>
        %dma_wait3A_117 = arith.constant 0 : i32
        %dma_wait3A_118 = tpu.memref_slice %arg19[%mul3A_2, %dma_wait3A_117] : memref<50000x8xf32, #tpu.memory_space<vmem_shared>> -> memref<2000x8xf32, #tpu.memory_space<vmem_shared>>
        %dma_wait3A_119 = arith.constant 0 : i32
        %dma_wait3A_120 = arith.constant 0 : i32
        %dma_wait3A_121 = tpu.memref_slice %arg17[%dma_wait3A_119, %dma_wait3A_120] : memref<3200x8xf32, #tpu.memory_space<vmem>> -> memref<2000x8xf32, #tpu.memory_space<vmem>>
        tpu.wait_dma2 semaphore(%run_scoped3A_101 : memref<!tpu.dma_semaphore, #tpu.memory_space<semaphore_mem>>) src(%dma_wait3A_121 : memref<2000x8xf32, #tpu.memory_space<vmem>>) dst(%dma_wait3A_118 : memref<2000x8xf32, #tpu.memory_space<vmem_shared>>)
        tpu.yield
      }) : () -> ()
    } else {
    }
    %barrier3A = arith.constant 0 : index
    tpu.barrier barrier_id(%barrier3A)
    %iota3A_17 = tpu.iota {dimensions = array<i32: 0>} : vector<16xi32>
    %broadcast_in_dim3A_18 = arith.constant 0 : i32
    %broadcast_in_dim3A_19 = vector.broadcast %broadcast_in_dim3A_18 : i32 to vector<16xi32>
    %add3A_20 = arith.constant 1 : i32
    %add3A_21 = vector.broadcast %add3A_20 : i32 to vector<16xi32>
    %add3A_22 = arith.addi %broadcast_in_dim3A_19, %add3A_21 : vector<16xi32>
    %add3A_23 = arith.constant 2 : i32
    %add3A_24 = vector.broadcast %add3A_23 : i32 to vector<16xi32>
    %add3A_25 = arith.addi %broadcast_in_dim3A_19, %add3A_24 : vector<16xi32>
    %add3A_26 = arith.constant 3 : i32
    %add3A_27 = vector.broadcast %add3A_26 : i32 to vector<16xi32>
    %add3A_28 = arith.addi %broadcast_in_dim3A_19, %add3A_27 : vector<16xi32>
    %mul3A_29 = arith.constant 50000 : i32
    %mul3A_30 = arith.muli %add3A, %mul3A_29 : i32
    %add3A_31 = arith.constant 0 : i32
    %add3A_32 = arith.addi %mul3A_30, %add3A_31 : i32
    "tpu.region"() ({
      %run_scoped3A = tpu.sem_alloc : memref<!tpu.dma_semaphore, #tpu.memory_space<semaphore_mem>>
      %dma_start3A_94 = tpu.memref_slice %arg3[%add3A_32] : memref<1600000xi32, #tpu.memory_space<hbm>> -> memref<2000xi32, #tpu.memory_space<hbm>>
      %dma_start3A_95 = tpu.memref_slice %arg3[%add3A_32] : memref<1600000xi32, #tpu.memory_space<hbm>> -> memref<2000xi32, #tpu.memory_space<hbm>>
      tpu.enqueue_dma source(%dma_start3A_95 : memref<2000xi32, #tpu.memory_space<hbm>>) target(%arg7 : memref<2000xi32, #tpu.memory_space<vmem>>) target_semaphore(%run_scoped3A : memref<!tpu.dma_semaphore, #tpu.memory_space<semaphore_mem>>)
      %dma_wait3A_96 = tpu.memref_slice %arg3[%add3A_32] : memref<1600000xi32, #tpu.memory_space<hbm>> -> memref<2000xi32, #tpu.memory_space<hbm>>
      %dma_wait3A_97 = tpu.memref_slice %arg3[%add3A_32] : memref<1600000xi32, #tpu.memory_space<hbm>> -> memref<2000xi32, #tpu.memory_space<hbm>>
      tpu.wait_dma2 semaphore(%run_scoped3A : memref<!tpu.dma_semaphore, #tpu.memory_space<semaphore_mem>>) src(%dma_wait3A_97 : memref<2000xi32, #tpu.memory_space<hbm>>) dst(%arg7 : memref<2000xi32, #tpu.memory_space<vmem>>)
      tpu.yield
    }) : () -> ()
    %dma_start3A = arith.constant 0 : i32
    %dma_start3A_33 = arith.constant 0 : i32
    %dma_start3A_34 = tpu.memref_slice %arg19[%dma_start3A, %dma_start3A_33] : memref<50000x8xf32, #tpu.memory_space<vmem_shared>> -> memref<50000x8xf32, #tpu.memory_space<vmem_shared>>
    tpu.enqueue_indirect_dma source(%dma_start3A_34 : memref<50000x8xf32, #tpu.memory_space<vmem_shared>>) target(%arg9 : memref<2000x8xf32, #tpu.memory_space<vmem>>) offsets(%arg7 : memref<2000xi32, #tpu.memory_space<vmem>>) semaphore(%arg20 : memref<!tpu.dma_semaphore, #tpu.memory_space<semaphore_mem>>)
    %scan3A = arith.constant 0 : i32
    %scan3A_35 = arith.constant 0 : i32
    %scan3A_36 = arith.constant 12 : i32
    %scan3A_37 = arith.addi %scan3A_35, %scan3A_36 : i32
    %scan3A_38 = arith.constant 1 : i32
    scf.for %scan3A_94 = %scan3A_35 to %scan3A_37 step %scan3A_38  : i32 {
      %mul3A_95 = arith.constant 2 : i32
      %mul3A_96 = arith.muli %mul3A_95, %scan3A_94 : i32
      %add3A_97 = arith.constant 1 : i32
      %add3A_98 = arith.addi %mul3A_96, %add3A_97 : i32
      %mul3A_99 = arith.constant 50000 : i32
      %mul3A_100 = arith.muli %add3A, %mul3A_99 : i32
      %mul3A_101 = arith.constant 2000 : i32
      %mul3A_102 = arith.muli %add3A_98, %mul3A_101 : i32
      %add3A_103 = arith.addi %mul3A_100, %mul3A_102 : i32
      "tpu.region"() ({
        %run_scoped3A = tpu.sem_alloc : memref<!tpu.dma_semaphore, #tpu.memory_space<semaphore_mem>>
        %dma_start3A_165 = tpu.memref_slice %arg3[%add3A_103] : memref<1600000xi32, #tpu.memory_space<hbm>> -> memref<2000xi32, #tpu.memory_space<hbm>>
        %dma_start3A_166 = tpu.memref_slice %arg3[%add3A_103] : memref<1600000xi32, #tpu.memory_space<hbm>> -> memref<2000xi32, #tpu.memory_space<hbm>>
        tpu.enqueue_dma source(%dma_start3A_166 : memref<2000xi32, #tpu.memory_space<hbm>>) target(%arg8 : memref<2000xi32, #tpu.memory_space<vmem>>) target_semaphore(%run_scoped3A : memref<!tpu.dma_semaphore, #tpu.memory_space<semaphore_mem>>)
        %dma_wait3A_167 = tpu.memref_slice %arg3[%add3A_103] : memref<1600000xi32, #tpu.memory_space<hbm>> -> memref<2000xi32, #tpu.memory_space<hbm>>
        %dma_wait3A_168 = tpu.memref_slice %arg3[%add3A_103] : memref<1600000xi32, #tpu.memory_space<hbm>> -> memref<2000xi32, #tpu.memory_space<hbm>>
        tpu.wait_dma2 semaphore(%run_scoped3A : memref<!tpu.dma_semaphore, #tpu.memory_space<semaphore_mem>>) src(%dma_wait3A_168 : memref<2000xi32, #tpu.memory_space<hbm>>) dst(%arg8 : memref<2000xi32, #tpu.memory_space<vmem>>)
        tpu.yield
      }) : () -> ()
      %dma_start3A_104 = arith.constant 0 : i32
      %dma_start3A_105 = arith.constant 0 : i32
      %dma_start3A_106 = tpu.memref_slice %arg19[%dma_start3A_104, %dma_start3A_105] : memref<50000x8xf32, #tpu.memory_space<vmem_shared>> -> memref<50000x8xf32, #tpu.memory_space<vmem_shared>>
      tpu.enqueue_indirect_dma source(%dma_start3A_106 : memref<50000x8xf32, #tpu.memory_space<vmem_shared>>) target(%arg10 : memref<2000x8xf32, #tpu.memory_space<vmem>>) offsets(%arg8 : memref<2000xi32, #tpu.memory_space<vmem>>) semaphore(%arg21 : memref<!tpu.dma_semaphore, #tpu.memory_space<semaphore_mem>>)
      %dma_wait3A_107 = arith.constant 0 : i32
      %dma_wait3A_108 = arith.constant 0 : i32
      %dma_wait3A_109 = tpu.memref_slice %arg19[%dma_wait3A_107, %dma_wait3A_108] : memref<50000x8xf32, #tpu.memory_space<vmem_shared>> -> memref<50000x8xf32, #tpu.memory_space<vmem_shared>>
      tpu.wait_indirect_dma semaphore(%arg20 : memref<!tpu.dma_semaphore, #tpu.memory_space<semaphore_mem>>) src(%dma_wait3A_109 : memref<50000x8xf32, #tpu.memory_space<vmem_shared>>) dst(%arg9 : memref<2000x8xf32, #tpu.memory_space<vmem>>)
      %gt3A = arith.constant 0 : i32
      %gt3A_110 = arith.cmpi sgt, %scan3A_94, %gt3A : i32
      %convert_element_type3A_111 = arith.extui %gt3A_110 : i1 to i32
      %cond3A_112 = arith.constant 0 : i32
      %cond3A_113 = arith.cmpi ne, %convert_element_type3A_111, %cond3A_112 : i32
      scf.if %cond3A_113 {
        %dma_wait3A_165 = arith.constant 0 : i32
        %dma_wait3A_166 = tpu.memref_slice %arg4[%dma_wait3A_165] : memref<1600000xf32, #tpu.memory_space<hbm>> -> memref<2000xf32, #tpu.memory_space<hbm>>
        %dma_wait3A_167 = arith.constant 0 : i32
        %dma_wait3A_168 = tpu.memref_slice %arg4[%dma_wait3A_167] : memref<1600000xf32, #tpu.memory_space<hbm>> -> memref<2000xf32, #tpu.memory_space<hbm>>
        tpu.wait_dma2 semaphore(%arg22 : memref<!tpu.dma_semaphore, #tpu.memory_space<semaphore_mem>>) src(%arg11 : memref<2000xf32, #tpu.memory_space<vmem>>) dst(%dma_wait3A_168 : memref<2000xf32, #tpu.memory_space<hbm>>)
        %dma_wait3A_169 = arith.constant 0 : i32
        %dma_wait3A_170 = tpu.memref_slice %arg5[%dma_wait3A_169] : memref<1600000xf32, #tpu.memory_space<hbm>> -> memref<2000xf32, #tpu.memory_space<hbm>>
        %dma_wait3A_171 = arith.constant 0 : i32
        %dma_wait3A_172 = tpu.memref_slice %arg5[%dma_wait3A_171] : memref<1600000xf32, #tpu.memory_space<hbm>> -> memref<2000xf32, #tpu.memory_space<hbm>>
        tpu.wait_dma2 semaphore(%arg22 : memref<!tpu.dma_semaphore, #tpu.memory_space<semaphore_mem>>) src(%arg13 : memref<2000xf32, #tpu.memory_space<vmem>>) dst(%dma_wait3A_172 : memref<2000xf32, #tpu.memory_space<hbm>>)
        %dma_wait3A_173 = arith.constant 0 : i32
        %dma_wait3A_174 = tpu.memref_slice %arg6[%dma_wait3A_173] : memref<1600000xf32, #tpu.memory_space<hbm>> -> memref<2000xf32, #tpu.memory_space<hbm>>
        %dma_wait3A_175 = arith.constant 0 : i32
        %dma_wait3A_176 = tpu.memref_slice %arg6[%dma_wait3A_175] : memref<1600000xf32, #tpu.memory_space<hbm>> -> memref<2000xf32, #tpu.memory_space<hbm>>
        tpu.wait_dma2 semaphore(%arg22 : memref<!tpu.dma_semaphore, #tpu.memory_space<semaphore_mem>>) src(%arg15 : memref<2000xf32, #tpu.memory_space<vmem>>) dst(%dma_wait3A_176 : memref<2000xf32, #tpu.memory_space<hbm>>)
      } else {
      }
      %scan3A_114 = arith.constant 0 : i32
      %scan3A_115 = arith.constant 0 : i32
      %scan3A_116 = arith.constant 125 : i32
      %scan3A_117 = arith.addi %scan3A_115, %scan3A_116 : i32
      %scan3A_118 = arith.constant 1 : i32
      scf.for %scan3A_165 = %scan3A_115 to %scan3A_117 step %scan3A_118  : i32 {
        %mul3A_166 = arith.constant 16 : i32
        %mul3A_167 = arith.muli %scan3A_165, %mul3A_166 : i32
        %add3A_168 = vector.broadcast %mul3A_167 : i32 to vector<16xi32>
        %add3A_169 = arith.addi %iota3A_17, %add3A_168 : vector<16xi32>
        %mul3A_170 = arith.constant 16 : i32
        %mul3A_171 = arith.muli %scan3A_165, %mul3A_170 : i32
        %gather3A = tpu.vector_load_idx %arg9[%add3A_169, %broadcast_in_dim3A_19] : memref<2000x8xf32, #tpu.memory_space<vmem>>[vector<16xi32>, vector<16xi32>], vector<16xf32>,
        %swap3A = arith.index_cast %mul3A_171 : i32 to index
        %swap3A_172 = tpu.vector_load %arg11[%swap3A] {strides = array<i32>} : memref<2000xf32, #tpu.memory_space<vmem>>, vector<16xf32>,
        tpu.vector_store %arg11[%swap3A], %gather3A {strides = array<i32>} : memref<2000xf32, #tpu.memory_space<vmem>>, vector<16xf32>,
        %gather3A_173 = tpu.vector_load_idx %arg9[%add3A_169, %add3A_22] : memref<2000x8xf32, #tpu.memory_space<vmem>>[vector<16xi32>, vector<16xi32>], vector<16xf32>,
        %swap3A_174 = arith.index_cast %mul3A_171 : i32 to index
        %swap3A_175 = tpu.vector_load %arg13[%swap3A_174] {strides = array<i32>} : memref<2000xf32, #tpu.memory_space<vmem>>, vector<16xf32>,
        tpu.vector_store %arg13[%swap3A_174], %gather3A_173 {strides = array<i32>} : memref<2000xf32, #tpu.memory_space<vmem>>, vector<16xf32>,
        %gather3A_176 = tpu.vector_load_idx %arg9[%add3A_169, %add3A_25] : memref<2000x8xf32, #tpu.memory_space<vmem>>[vector<16xi32>, vector<16xi32>], vector<16xf32>,
        %swap3A_177 = arith.index_cast %mul3A_171 : i32 to index
        %swap3A_178 = tpu.vector_load %arg15[%swap3A_177] {strides = array<i32>} : memref<2000xf32, #tpu.memory_space<vmem>>, vector<16xf32>,
        tpu.vector_store %arg15[%swap3A_177], %gather3A_176 {strides = array<i32>} : memref<2000xf32, #tpu.memory_space<vmem>>, vector<16xf32>,
      }
      %scan3A_119 = arith.constant 125 : i32
      %mul3A_120 = arith.constant 50000 : i32
      %mul3A_121 = arith.muli %add3A, %mul3A_120 : i32
      %mul3A_122 = arith.constant 2000 : i32
      %mul3A_123 = arith.muli %mul3A_96, %mul3A_122 : i32
      %add3A_124 = arith.addi %mul3A_121, %mul3A_123 : i32
      %dma_start3A_125 = tpu.memref_slice %arg4[%add3A_124] : memref<1600000xf32, #tpu.memory_space<hbm>> -> memref<2000xf32, #tpu.memory_space<hbm>>
      %dma_start3A_126 = tpu.memref_slice %arg4[%add3A_124] : memref<1600000xf32, #tpu.memory_space<hbm>> -> memref<2000xf32, #tpu.memory_space<hbm>>
      tpu.enqueue_dma source(%arg11 : memref<2000xf32, #tpu.memory_space<vmem>>) target(%dma_start3A_126 : memref<2000xf32, #tpu.memory_space<hbm>>) target_semaphore(%arg22 : memref<!tpu.dma_semaphore, #tpu.memory_space<semaphore_mem>>)
      %dma_start3A_127 = tpu.memref_slice %arg5[%add3A_124] : memref<1600000xf32, #tpu.memory_space<hbm>> -> memref<2000xf32, #tpu.memory_space<hbm>>
      %dma_start3A_128 = tpu.memref_slice %arg5[%add3A_124] : memref<1600000xf32, #tpu.memory_space<hbm>> -> memref<2000xf32, #tpu.memory_space<hbm>>
      tpu.enqueue_dma source(%arg13 : memref<2000xf32, #tpu.memory_space<vmem>>) target(%dma_start3A_128 : memref<2000xf32, #tpu.memory_space<hbm>>) target_semaphore(%arg22 : memref<!tpu.dma_semaphore, #tpu.memory_space<semaphore_mem>>)
      %dma_start3A_129 = tpu.memref_slice %arg6[%add3A_124] : memref<1600000xf32, #tpu.memory_space<hbm>> -> memref<2000xf32, #tpu.memory_space<hbm>>
      %dma_start3A_130 = tpu.memref_slice %arg6[%add3A_124] : memref<1600000xf32, #tpu.memory_space<hbm>> -> memref<2000xf32, #tpu.memory_space<hbm>>
      tpu.enqueue_dma source(%arg15 : memref<2000xf32, #tpu.memory_space<vmem>>) target(%dma_start3A_130 : memref<2000xf32, #tpu.memory_space<hbm>>) target_semaphore(%arg22 : memref<!tpu.dma_semaphore, #tpu.memory_space<semaphore_mem>>)
      %add3A_131 = arith.constant 2 : i32
      %add3A_132 = arith.addi %mul3A_96, %add3A_131 : i32
      %lt3A_133 = arith.constant 25 : i32
      %lt3A_134 = arith.cmpi slt, %add3A_132, %lt3A_133 : i32
      %convert_element_type3A_135 = arith.extui %lt3A_134 : i1 to i32
      %cond3A_136 = arith.constant 0 : i32
      %cond3A_137 = arith.cmpi ne, %convert_element_type3A_135, %cond3A_136 : i32
      scf.if %cond3A_137 {
        %add3A_165 = arith.constant 2 : i32
        %add3A_166 = arith.addi %mul3A_96, %add3A_165 : i32
        %mul3A_167 = arith.constant 50000 : i32
        %mul3A_168 = arith.muli %add3A, %mul3A_167 : i32
        %mul3A_169 = arith.constant 2000 : i32
        %mul3A_170 = arith.muli %add3A_166, %mul3A_169 : i32
        %add3A_171 = arith.addi %mul3A_168, %mul3A_170 : i32
        "tpu.region"() ({
          %run_scoped3A = tpu.sem_alloc : memref<!tpu.dma_semaphore, #tpu.memory_space<semaphore_mem>>
          %dma_start3A_175 = tpu.memref_slice %arg3[%add3A_171] : memref<1600000xi32, #tpu.memory_space<hbm>> -> memref<2000xi32, #tpu.memory_space<hbm>>
          %dma_start3A_176 = tpu.memref_slice %arg3[%add3A_171] : memref<1600000xi32, #tpu.memory_space<hbm>> -> memref<2000xi32, #tpu.memory_space<hbm>>
          tpu.enqueue_dma source(%dma_start3A_176 : memref<2000xi32, #tpu.memory_space<hbm>>) target(%arg7 : memref<2000xi32, #tpu.memory_space<vmem>>) target_semaphore(%run_scoped3A : memref<!tpu.dma_semaphore, #tpu.memory_space<semaphore_mem>>)
          %dma_wait3A_177 = tpu.memref_slice %arg3[%add3A_171] : memref<1600000xi32, #tpu.memory_space<hbm>> -> memref<2000xi32, #tpu.memory_space<hbm>>
          %dma_wait3A_178 = tpu.memref_slice %arg3[%add3A_171] : memref<1600000xi32, #tpu.memory_space<hbm>> -> memref<2000xi32, #tpu.memory_space<hbm>>
          tpu.wait_dma2 semaphore(%run_scoped3A : memref<!tpu.dma_semaphore, #tpu.memory_space<semaphore_mem>>) src(%dma_wait3A_178 : memref<2000xi32, #tpu.memory_space<hbm>>) dst(%arg7 : memref<2000xi32, #tpu.memory_space<vmem>>)
          tpu.yield
        }) : () -> ()
        %dma_start3A_172 = arith.constant 0 : i32
        %dma_start3A_173 = arith.constant 0 : i32
        %dma_start3A_174 = tpu.memref_slice %arg19[%dma_start3A_172, %dma_start3A_173] : memref<50000x8xf32, #tpu.memory_space<vmem_shared>> -> memref<50000x8xf32, #tpu.memory_space<vmem_shared>>
        tpu.enqueue_indirect_dma source(%dma_start3A_174 : memref<50000x8xf32, #tpu.memory_space<vmem_shared>>) target(%arg9 : memref<2000x8xf32, #tpu.memory_space<vmem>>) offsets(%arg7 : memref<2000xi32, #tpu.memory_space<vmem>>) semaphore(%arg20 : memref<!tpu.dma_semaphore, #tpu.memory_space<semaphore_mem>>)
      } else {
      }
      %dma_wait3A_138 = arith.constant 0 : i32
      %dma_wait3A_139 = arith.constant 0 : i32
      %dma_wait3A_140 = tpu.memref_slice %arg19[%dma_wait3A_138, %dma_wait3A_139] : memref<50000x8xf32, #tpu.memory_space<vmem_shared>> -> memref<50000x8xf32, #tpu.memory_space<vmem_shared>>
      tpu.wait_indirect_dma semaphore(%arg21 : memref<!tpu.dma_semaphore, #tpu.memory_space<semaphore_mem>>) src(%dma_wait3A_140 : memref<50000x8xf32, #tpu.memory_space<vmem_shared>>) dst(%arg10 : memref<2000x8xf32, #tpu.memory_space<vmem>>)
      %gt3A_141 = arith.constant 0 : i32
      %gt3A_142 = arith.cmpi sgt, %scan3A_94, %gt3A_141 : i32
      %convert_element_type3A_143 = arith.extui %gt3A_142 : i1 to i32
      %cond3A_144 = arith.constant 0 : i32
      %cond3A_145 = arith.cmpi ne, %convert_element_type3A_143, %cond3A_144 : i32
      scf.if %cond3A_145 {
        %dma_wait3A_165 = arith.constant 0 : i32
        %dma_wait3A_166 = tpu.memref_slice %arg4[%dma_wait3A_165] : memref<1600000xf32, #tpu.memory_space<hbm>> -> memref<2000xf32, #tpu.memory_space<hbm>>
        %dma_wait3A_167 = arith.constant 0 : i32
        %dma_wait3A_168 = tpu.memref_slice %arg4[%dma_wait3A_167] : memref<1600000xf32, #tpu.memory_space<hbm>> -> memref<2000xf32, #tpu.memory_space<hbm>>
        tpu.wait_dma2 semaphore(%arg23 : memref<!tpu.dma_semaphore, #tpu.memory_space<semaphore_mem>>) src(%arg12 : memref<2000xf32, #tpu.memory_space<vmem>>) dst(%dma_wait3A_168 : memref<2000xf32, #tpu.memory_space<hbm>>)
        %dma_wait3A_169 = arith.constant 0 : i32
        %dma_wait3A_170 = tpu.memref_slice %arg5[%dma_wait3A_169] : memref<1600000xf32, #tpu.memory_space<hbm>> -> memref<2000xf32, #tpu.memory_space<hbm>>
        %dma_wait3A_171 = arith.constant 0 : i32
        %dma_wait3A_172 = tpu.memref_slice %arg5[%dma_wait3A_171] : memref<1600000xf32, #tpu.memory_space<hbm>> -> memref<2000xf32, #tpu.memory_space<hbm>>
        tpu.wait_dma2 semaphore(%arg23 : memref<!tpu.dma_semaphore, #tpu.memory_space<semaphore_mem>>) src(%arg14 : memref<2000xf32, #tpu.memory_space<vmem>>) dst(%dma_wait3A_172 : memref<2000xf32, #tpu.memory_space<hbm>>)
        %dma_wait3A_173 = arith.constant 0 : i32
        %dma_wait3A_174 = tpu.memref_slice %arg6[%dma_wait3A_173] : memref<1600000xf32, #tpu.memory_space<hbm>> -> memref<2000xf32, #tpu.memory_space<hbm>>
        %dma_wait3A_175 = arith.constant 0 : i32
        %dma_wait3A_176 = tpu.memref_slice %arg6[%dma_wait3A_175] : memref<1600000xf32, #tpu.memory_space<hbm>> -> memref<2000xf32, #tpu.memory_space<hbm>>
        tpu.wait_dma2 semaphore(%arg23 : memref<!tpu.dma_semaphore, #tpu.memory_space<semaphore_mem>>) src(%arg16 : memref<2000xf32, #tpu.memory_space<vmem>>) dst(%dma_wait3A_176 : memref<2000xf32, #tpu.memory_space<hbm>>)
      } else {
      }
      %scan3A_146 = arith.constant 0 : i32
      %scan3A_147 = arith.constant 0 : i32
      %scan3A_148 = arith.constant 125 : i32
      %scan3A_149 = arith.addi %scan3A_147, %scan3A_148 : i32
      %scan3A_150 = arith.constant 1 : i32
      scf.for %scan3A_165 = %scan3A_147 to %scan3A_149 step %scan3A_150  : i32 {
        %mul3A_166 = arith.constant 16 : i32
        %mul3A_167 = arith.muli %scan3A_165, %mul3A_166 : i32
        %add3A_168 = vector.broadcast %mul3A_167 : i32 to vector<16xi32>
        %add3A_169 = arith.addi %iota3A_17, %add3A_168 : vector<16xi32>
        %mul3A_170 = arith.constant 16 : i32
        %mul3A_171 = arith.muli %scan3A_165, %mul3A_170 : i32
        %gather3A = tpu.vector_load_idx %arg10[%add3A_169, %broadcast_in_dim3A_19] : memref<2000x8xf32, #tpu.memory_space<vmem>>[vector<16xi32>, vector<16xi32>], vector<16xf32>,
        %swap3A = arith.index_cast %mul3A_171 : i32 to index
        %swap3A_172 = tpu.vector_load %arg12[%swap3A] {strides = array<i32>} : memref<2000xf32, #tpu.memory_space<vmem>>, vector<16xf32>,
        tpu.vector_store %arg12[%swap3A], %gather3A {strides = array<i32>} : memref<2000xf32, #tpu.memory_space<vmem>>, vector<16xf32>,
        %gather3A_173 = tpu.vector_load_idx %arg10[%add3A_169, %add3A_22] : memref<2000x8xf32, #tpu.memory_space<vmem>>[vector<16xi32>, vector<16xi32>], vector<16xf32>,
        %swap3A_174 = arith.index_cast %mul3A_171 : i32 to index
        %swap3A_175 = tpu.vector_load %arg14[%swap3A_174] {strides = array<i32>} : memref<2000xf32, #tpu.memory_space<vmem>>, vector<16xf32>,
        tpu.vector_store %arg14[%swap3A_174], %gather3A_173 {strides = array<i32>} : memref<2000xf32, #tpu.memory_space<vmem>>, vector<16xf32>,
        %gather3A_176 = tpu.vector_load_idx %arg10[%add3A_169, %add3A_25] : memref<2000x8xf32, #tpu.memory_space<vmem>>[vector<16xi32>, vector<16xi32>], vector<16xf32>,
        %swap3A_177 = arith.index_cast %mul3A_171 : i32 to index
        %swap3A_178 = tpu.vector_load %arg16[%swap3A_177] {strides = array<i32>} : memref<2000xf32, #tpu.memory_space<vmem>>, vector<16xf32>,
        tpu.vector_store %arg16[%swap3A_177], %gather3A_176 {strides = array<i32>} : memref<2000xf32, #tpu.memory_space<vmem>>, vector<16xf32>,
      }
      %scan3A_151 = arith.constant 125 : i32
      %add3A_152 = arith.constant 1 : i32
      %add3A_153 = arith.addi %mul3A_96, %add3A_152 : i32
      %mul3A_154 = arith.constant 50000 : i32
      %mul3A_155 = arith.muli %add3A, %mul3A_154 : i32
      %mul3A_156 = arith.constant 2000 : i32
      %mul3A_157 = arith.muli %add3A_153, %mul3A_156 : i32
      %add3A_158 = arith.addi %mul3A_155, %mul3A_157 : i32
      %dma_start3A_159 = tpu.memref_slice %arg4[%add3A_158] : memref<1600000xf32, #tpu.memory_space<hbm>> -> memref<2000xf32, #tpu.memory_space<hbm>>
      %dma_start3A_160 = tpu.memref_slice %arg4[%add3A_158] : memref<1600000xf32, #tpu.memory_space<hbm>> -> memref<2000xf32, #tpu.memory_space<hbm>>
      tpu.enqueue_dma source(%arg12 : memref<2000xf32, #tpu.memory_space<vmem>>) target(%dma_start3A_160 : memref<2000xf32, #tpu.memory_space<hbm>>) target_semaphore(%arg23 : memref<!tpu.dma_semaphore, #tpu.memory_space<semaphore_mem>>)
      %dma_start3A_161 = tpu.memref_slice %arg5[%add3A_158] : memref<1600000xf32, #tpu.memory_space<hbm>> -> memref<2000xf32, #tpu.memory_space<hbm>>
      %dma_start3A_162 = tpu.memref_slice %arg5[%add3A_158] : memref<1600000xf32, #tpu.memory_space<hbm>> -> memref<2000xf32, #tpu.memory_space<hbm>>
      tpu.enqueue_dma source(%arg14 : memref<2000xf32, #tpu.memory_space<vmem>>) target(%dma_start3A_162 : memref<2000xf32, #tpu.memory_space<hbm>>) target_semaphore(%arg23 : memref<!tpu.dma_semaphore, #tpu.memory_space<semaphore_mem>>)
      %dma_start3A_163 = tpu.memref_slice %arg6[%add3A_158] : memref<1600000xf32, #tpu.memory_space<hbm>> -> memref<2000xf32, #tpu.memory_space<hbm>>
      %dma_start3A_164 = tpu.memref_slice %arg6[%add3A_158] : memref<1600000xf32, #tpu.memory_space<hbm>> -> memref<2000xf32, #tpu.memory_space<hbm>>
      tpu.enqueue_dma source(%arg16 : memref<2000xf32, #tpu.memory_space<vmem>>) target(%dma_start3A_164 : memref<2000xf32, #tpu.memory_space<hbm>>) target_semaphore(%arg23 : memref<!tpu.dma_semaphore, #tpu.memory_space<semaphore_mem>>)
    }
    %scan3A_39 = arith.constant 12 : i32
    %dma_wait3A = arith.constant 0 : i32
    %dma_wait3A_40 = arith.constant 0 : i32
    %dma_wait3A_41 = tpu.memref_slice %arg19[%dma_wait3A, %dma_wait3A_40] : memref<50000x8xf32, #tpu.memory_space<vmem_shared>> -> memref<50000x8xf32, #tpu.memory_space<vmem_shared>>
    tpu.wait_indirect_dma semaphore(%arg20 : memref<!tpu.dma_semaphore, #tpu.memory_space<semaphore_mem>>) src(%dma_wait3A_41 : memref<50000x8xf32, #tpu.memory_space<vmem_shared>>) dst(%arg9 : memref<2000x8xf32, #tpu.memory_space<vmem>>)
    %dma_wait3A_42 = arith.constant 0 : i32
    %dma_wait3A_43 = tpu.memref_slice %arg4[%dma_wait3A_42] : memref<1600000xf32, #tpu.memory_space<hbm>> -> memref<2000xf32, #tpu.memory_space<hbm>>
    %dma_wait3A_44 = arith.constant 0 : i32
    %dma_wait3A_45 = tpu.memref_slice %arg4[%dma_wait3A_44] : memref<1600000xf32, #tpu.memory_space<hbm>> -> memref<2000xf32, #tpu.memory_space<hbm>>
    tpu.wait_dma2 semaphore(%arg22 : memref<!tpu.dma_semaphore, #tpu.memory_space<semaphore_mem>>) src(%arg11 : memref<2000xf32, #tpu.memory_space<vmem>>) dst(%dma_wait3A_45 : memref<2000xf32, #tpu.memory_space<hbm>>)
    %dma_wait3A_46 = arith.constant 0 : i32
    %dma_wait3A_47 = tpu.memref_slice %arg5[%dma_wait3A_46] : memref<1600000xf32, #tpu.memory_space<hbm>> -> memref<2000xf32, #tpu.memory_space<hbm>>
    %dma_wait3A_48 = arith.constant 0 : i32
    %dma_wait3A_49 = tpu.memref_slice %arg5[%dma_wait3A_48] : memref<1600000xf32, #tpu.memory_space<hbm>> -> memref<2000xf32, #tpu.memory_space<hbm>>
    tpu.wait_dma2 semaphore(%arg22 : memref<!tpu.dma_semaphore, #tpu.memory_space<semaphore_mem>>) src(%arg13 : memref<2000xf32, #tpu.memory_space<vmem>>) dst(%dma_wait3A_49 : memref<2000xf32, #tpu.memory_space<hbm>>)
    %dma_wait3A_50 = arith.constant 0 : i32
    %dma_wait3A_51 = tpu.memref_slice %arg6[%dma_wait3A_50] : memref<1600000xf32, #tpu.memory_space<hbm>> -> memref<2000xf32, #tpu.memory_space<hbm>>
    %dma_wait3A_52 = arith.constant 0 : i32
    %dma_wait3A_53 = tpu.memref_slice %arg6[%dma_wait3A_52] : memref<1600000xf32, #tpu.memory_space<hbm>> -> memref<2000xf32, #tpu.memory_space<hbm>>
    tpu.wait_dma2 semaphore(%arg22 : memref<!tpu.dma_semaphore, #tpu.memory_space<semaphore_mem>>) src(%arg15 : memref<2000xf32, #tpu.memory_space<vmem>>) dst(%dma_wait3A_53 : memref<2000xf32, #tpu.memory_space<hbm>>)
    %scan3A_54 = arith.constant 0 : i32
    %scan3A_55 = arith.constant 0 : i32
    %scan3A_56 = arith.constant 125 : i32
    %scan3A_57 = arith.addi %scan3A_55, %scan3A_56 : i32
    %scan3A_58 = arith.constant 1 : i32
    scf.for %scan3A_94 = %scan3A_55 to %scan3A_57 step %scan3A_58  : i32 {
      %mul3A_95 = arith.constant 16 : i32
      %mul3A_96 = arith.muli %scan3A_94, %mul3A_95 : i32
      %add3A_97 = vector.broadcast %mul3A_96 : i32 to vector<16xi32>
      %add3A_98 = arith.addi %iota3A_17, %add3A_97 : vector<16xi32>
      %mul3A_99 = arith.constant 16 : i32
      %mul3A_100 = arith.muli %scan3A_94, %mul3A_99 : i32
      %gather3A = tpu.vector_load_idx %arg9[%add3A_98, %broadcast_in_dim3A_19] : memref<2000x8xf32, #tpu.memory_space<vmem>>[vector<16xi32>, vector<16xi32>], vector<16xf32>,
      %swap3A = arith.index_cast %mul3A_100 : i32 to index
      %swap3A_101 = tpu.vector_load %arg11[%swap3A] {strides = array<i32>} : memref<2000xf32, #tpu.memory_space<vmem>>, vector<16xf32>,
      tpu.vector_store %arg11[%swap3A], %gather3A {strides = array<i32>} : memref<2000xf32, #tpu.memory_space<vmem>>, vector<16xf32>,
      %gather3A_102 = tpu.vector_load_idx %arg9[%add3A_98, %add3A_22] : memref<2000x8xf32, #tpu.memory_space<vmem>>[vector<16xi32>, vector<16xi32>], vector<16xf32>,
      %swap3A_103 = arith.index_cast %mul3A_100 : i32 to index
      %swap3A_104 = tpu.vector_load %arg13[%swap3A_103] {strides = array<i32>} : memref<2000xf32, #tpu.memory_space<vmem>>, vector<16xf32>,
      tpu.vector_store %arg13[%swap3A_103], %gather3A_102 {strides = array<i32>} : memref<2000xf32, #tpu.memory_space<vmem>>, vector<16xf32>,
      %gather3A_105 = tpu.vector_load_idx %arg9[%add3A_98, %add3A_25] : memref<2000x8xf32, #tpu.memory_space<vmem>>[vector<16xi32>, vector<16xi32>], vector<16xf32>,
      %swap3A_106 = arith.index_cast %mul3A_100 : i32 to index
      %swap3A_107 = tpu.vector_load %arg15[%swap3A_106] {strides = array<i32>} : memref<2000xf32, #tpu.memory_space<vmem>>, vector<16xf32>,
      tpu.vector_store %arg15[%swap3A_106], %gather3A_105 {strides = array<i32>} : memref<2000xf32, #tpu.memory_space<vmem>>, vector<16xf32>,
    }
    %scan3A_59 = arith.constant 125 : i32
    %mul3A_60 = arith.constant 50000 : i32
    %mul3A_61 = arith.muli %add3A, %mul3A_60 : i32
    %add3A_62 = arith.constant 48000 : i32
    %add3A_63 = arith.addi %mul3A_61, %add3A_62 : i32
    %dma_start3A_64 = tpu.memref_slice %arg4[%add3A_63] : memref<1600000xf32, #tpu.memory_space<hbm>> -> memref<2000xf32, #tpu.memory_space<hbm>>
    %dma_start3A_65 = tpu.memref_slice %arg4[%add3A_63] : memref<1600000xf32, #tpu.memory_space<hbm>> -> memref<2000xf32, #tpu.memory_space<hbm>>
    tpu.enqueue_dma source(%arg11 : memref<2000xf32, #tpu.memory_space<vmem>>) target(%dma_start3A_65 : memref<2000xf32, #tpu.memory_space<hbm>>) target_semaphore(%arg22 : memref<!tpu.dma_semaphore, #tpu.memory_space<semaphore_mem>>)
    %dma_start3A_66 = tpu.memref_slice %arg5[%add3A_63] : memref<1600000xf32, #tpu.memory_space<hbm>> -> memref<2000xf32, #tpu.memory_space<hbm>>
    %dma_start3A_67 = tpu.memref_slice %arg5[%add3A_63] : memref<1600000xf32, #tpu.memory_space<hbm>> -> memref<2000xf32, #tpu.memory_space<hbm>>
    tpu.enqueue_dma source(%arg13 : memref<2000xf32, #tpu.memory_space<vmem>>) target(%dma_start3A_67 : memref<2000xf32, #tpu.memory_space<hbm>>) target_semaphore(%arg22 : memref<!tpu.dma_semaphore, #tpu.memory_space<semaphore_mem>>)
    %dma_start3A_68 = tpu.memref_slice %arg6[%add3A_63] : memref<1600000xf32, #tpu.memory_space<hbm>> -> memref<2000xf32, #tpu.memory_space<hbm>>
    %dma_start3A_69 = tpu.memref_slice %arg6[%add3A_63] : memref<1600000xf32, #tpu.memory_space<hbm>> -> memref<2000xf32, #tpu.memory_space<hbm>>
    tpu.enqueue_dma source(%arg15 : memref<2000xf32, #tpu.memory_space<vmem>>) target(%dma_start3A_69 : memref<2000xf32, #tpu.memory_space<hbm>>) target_semaphore(%arg22 : memref<!tpu.dma_semaphore, #tpu.memory_space<semaphore_mem>>)
    %dma_wait3A_70 = arith.constant 0 : i32
    %dma_wait3A_71 = tpu.memref_slice %arg4[%dma_wait3A_70] : memref<1600000xf32, #tpu.memory_space<hbm>> -> memref<2000xf32, #tpu.memory_space<hbm>>
    %dma_wait3A_72 = arith.constant 0 : i32
    %dma_wait3A_73 = tpu.memref_slice %arg4[%dma_wait3A_72] : memref<1600000xf32, #tpu.memory_space<hbm>> -> memref<2000xf32, #tpu.memory_space<hbm>>
    tpu.wait_dma2 semaphore(%arg22 : memref<!tpu.dma_semaphore, #tpu.memory_space<semaphore_mem>>) src(%arg11 : memref<2000xf32, #tpu.memory_space<vmem>>) dst(%dma_wait3A_73 : memref<2000xf32, #tpu.memory_space<hbm>>)
    %dma_wait3A_74 = arith.constant 0 : i32
    %dma_wait3A_75 = tpu.memref_slice %arg5[%dma_wait3A_74] : memref<1600000xf32, #tpu.memory_space<hbm>> -> memref<2000xf32, #tpu.memory_space<hbm>>
    %dma_wait3A_76 = arith.constant 0 : i32
    %dma_wait3A_77 = tpu.memref_slice %arg5[%dma_wait3A_76] : memref<1600000xf32, #tpu.memory_space<hbm>> -> memref<2000xf32, #tpu.memory_space<hbm>>
    tpu.wait_dma2 semaphore(%arg22 : memref<!tpu.dma_semaphore, #tpu.memory_space<semaphore_mem>>) src(%arg13 : memref<2000xf32, #tpu.memory_space<vmem>>) dst(%dma_wait3A_77 : memref<2000xf32, #tpu.memory_space<hbm>>)
    %dma_wait3A_78 = arith.constant 0 : i32
    %dma_wait3A_79 = tpu.memref_slice %arg6[%dma_wait3A_78] : memref<1600000xf32, #tpu.memory_space<hbm>> -> memref<2000xf32, #tpu.memory_space<hbm>>
    %dma_wait3A_80 = arith.constant 0 : i32
    %dma_wait3A_81 = tpu.memref_slice %arg6[%dma_wait3A_80] : memref<1600000xf32, #tpu.memory_space<hbm>> -> memref<2000xf32, #tpu.memory_space<hbm>>
    tpu.wait_dma2 semaphore(%arg22 : memref<!tpu.dma_semaphore, #tpu.memory_space<semaphore_mem>>) src(%arg15 : memref<2000xf32, #tpu.memory_space<vmem>>) dst(%dma_wait3A_81 : memref<2000xf32, #tpu.memory_space<hbm>>)
    %dma_wait3A_82 = arith.constant 0 : i32
    %dma_wait3A_83 = tpu.memref_slice %arg4[%dma_wait3A_82] : memref<1600000xf32, #tpu.memory_space<hbm>> -> memref<2000xf32, #tpu.memory_space<hbm>>
    %dma_wait3A_84 = arith.constant 0 : i32
    %dma_wait3A_85 = tpu.memref_slice %arg4[%dma_wait3A_84] : memref<1600000xf32, #tpu.memory_space<hbm>> -> memref<2000xf32, #tpu.memory_space<hbm>>
    tpu.wait_dma2 semaphore(%arg23 : memref<!tpu.dma_semaphore, #tpu.memory_space<semaphore_mem>>) src(%arg12 : memref<2000xf32, #tpu.memory_space<vmem>>) dst(%dma_wait3A_85 : memref<2000xf32, #tpu.memory_space<hbm>>)
    %dma_wait3A_86 = arith.constant 0 : i32
    %dma_wait3A_87 = tpu.memref_slice %arg5[%dma_wait3A_86] : memref<1600000xf32, #tpu.memory_space<hbm>> -> memref<2000xf32, #tpu.memory_space<hbm>>
    %dma_wait3A_88 = arith.constant 0 : i32
    %dma_wait3A_89 = tpu.memref_slice %arg5[%dma_wait3A_88] : memref<1600000xf32, #tpu.memory_space<hbm>> -> memref<2000xf32, #tpu.memory_space<hbm>>
    tpu.wait_dma2 semaphore(%arg23 : memref<!tpu.dma_semaphore, #tpu.memory_space<semaphore_mem>>) src(%arg14 : memref<2000xf32, #tpu.memory_space<vmem>>) dst(%dma_wait3A_89 : memref<2000xf32, #tpu.memory_space<hbm>>)
    %dma_wait3A_90 = arith.constant 0 : i32
    %dma_wait3A_91 = tpu.memref_slice %arg6[%dma_wait3A_90] : memref<1600000xf32, #tpu.memory_space<hbm>> -> memref<2000xf32, #tpu.memory_space<hbm>>
    %dma_wait3A_92 = arith.constant 0 : i32
    %dma_wait3A_93 = tpu.memref_slice %arg6[%dma_wait3A_92] : memref<1600000xf32, #tpu.memory_space<hbm>> -> memref<2000xf32, #tpu.memory_space<hbm>>
    tpu.wait_dma2 semaphore(%arg23 : memref<!tpu.dma_semaphore, #tpu.memory_space<semaphore_mem>>) src(%arg16 : memref<2000xf32, #tpu.memory_space<vmem>>) dst(%dma_wait3A_93 : memref<2000xf32, #tpu.memory_space<hbm>>)
    return
  }
}

module attributes {stable_mosaic.version = 14 : i64} {
  func.func @_final_body(%arg0: i32, %arg1: memref<16384xf32, #tpu.memory_space<vmem>>, %arg2: memref<16384xf32, #tpu.memory_space<vmem>>, %arg3: memref<16384xf32, #tpu.memory_space<vmem>>, %arg4: memref<64x8xf32, #tpu.memory_space<vmem>>, %arg5: memref<64x1xf32, #tpu.memory_space<vmem>>, %arg6: memref<64x1xf32, #tpu.memory_space<vmem>>, %arg7: memref<64x1xf32, #tpu.memory_space<vmem>>, %arg8: memref<64x16384xf32, #tpu.memory_space<vmem>>) attributes {dimension_semantics = [#tpu.dimension_semantics<arbitrary>], iteration_bounds = array<i64: 98>, scalar_prefetch = 0 : i64, scratch_operands = 0 : i64, tpu.core_type = #tpu.core_type<tc>, window_params = [{transform_indices = @transform_0, window_bounds = array<i64: 16384>}, {transform_indices = @transform_1, window_bounds = array<i64: 16384>}, {transform_indices = @transform_2, window_bounds = array<i64: 16384>}, {pipeline_mode = #tpu.pipeline_mode<synchronous>, transform_indices = @transform_3, window_bounds = array<i64: 64, 8>}, {pipeline_mode = #tpu.pipeline_mode<synchronous>, transform_indices = @transform_4, window_bounds = array<i64: 64, 1>}, {pipeline_mode = #tpu.pipeline_mode<synchronous>, transform_indices = @transform_5, window_bounds = array<i64: 64, 1>}, {pipeline_mode = #tpu.pipeline_mode<synchronous>, transform_indices = @transform_6, window_bounds = array<i64: 64, 1>}, {transform_indices = @transform_7, window_bounds = array<i64: 64, 16384>}]} {
    %get3A = arith.constant 0 : index
    %get3A_0 = vector.load %arg1[%get3A] : memref<16384xf32, #tpu.memory_space<vmem>>, vector<16384xf32>
    %reshape3A = vector.shape_cast %get3A_0 : vector<16384xf32> to vector<1x16384xf32>
    %get3A_1 = arith.constant 0 : index
    %get3A_2 = vector.load %arg2[%get3A_1] : memref<16384xf32, #tpu.memory_space<vmem>>, vector<16384xf32>
    %reshape3A_3 = vector.shape_cast %get3A_2 : vector<16384xf32> to vector<1x16384xf32>
    %get3A_4 = arith.constant 0 : index
    %get3A_5 = vector.load %arg3[%get3A_4] : memref<16384xf32, #tpu.memory_space<vmem>>, vector<16384xf32>
    %reshape3A_6 = vector.shape_cast %get3A_5 : vector<16384xf32> to vector<1x16384xf32>
    %get3A_7 = arith.constant 0 : index
    %get3A_8 = arith.constant 0 : index
    %get3A_9 = vector.load %arg4[%get3A_7, %get3A_8] : memref<64x8xf32, #tpu.memory_space<vmem>>, vector<64x8xf32>
    %slice3A = vector.extract_strided_slice %get3A_9 {offsets = [0, 0], sizes = [64, 1], strides = [1, 1]} : vector<64x8xf32> to vector<64x1xf32>
    %slice3A_10 = vector.extract_strided_slice %get3A_9 {offsets = [0, 1], sizes = [64, 1], strides = [1, 1]} : vector<64x8xf32> to vector<64x1xf32>
    %slice3A_11 = vector.extract_strided_slice %get3A_9 {offsets = [0, 2], sizes = [64, 1], strides = [1, 1]} : vector<64x8xf32> to vector<64x1xf32>
    %slice3A_12 = vector.extract_strided_slice %get3A_9 {offsets = [0, 3], sizes = [64, 1], strides = [1, 1]} : vector<64x8xf32> to vector<64x1xf32>
    %slice3A_13 = vector.extract_strided_slice %get3A_9 {offsets = [0, 4], sizes = [64, 1], strides = [1, 1]} : vector<64x8xf32> to vector<64x1xf32>
    %slice3A_14 = vector.extract_strided_slice %get3A_9 {offsets = [0, 5], sizes = [64, 1], strides = [1, 1]} : vector<64x8xf32> to vector<64x1xf32>
    %slice3A_15 = vector.extract_strided_slice %get3A_9 {offsets = [0, 6], sizes = [64, 1], strides = [1, 1]} : vector<64x8xf32> to vector<64x1xf32>
    %slice3A_16 = vector.extract_strided_slice %get3A_9 {offsets = [0, 7], sizes = [64, 1], strides = [1, 1]} : vector<64x8xf32> to vector<64x1xf32>
    %sub3A = arith.subf %slice3A, %slice3A_10 : vector<64x1xf32>
    %add3A = arith.addf %sub3A, %slice3A_11 : vector<64x1xf32>
    %add3A_17 = arith.addf %add3A, %slice3A_12 : vector<64x1xf32>
    %sub3A_18 = arith.subf %add3A_17, %slice3A_13 : vector<64x1xf32>
    %sub3A_19 = arith.subf %sub3A_18, %slice3A_14 : vector<64x1xf32>
    %add3A_20 = arith.addf %sub3A_19, %slice3A_15 : vector<64x1xf32>
    %sub3A_21 = arith.subf %add3A_20, %slice3A_16 : vector<64x1xf32>
    %mul3A = arith.constant 0.577350259 : f32
    %mul3A_22 = vector.broadcast %mul3A : f32 to vector<64x1xf32>
    %mul3A_23 = arith.mulf %sub3A_21, %mul3A_22 : vector<64x1xf32>
    %add3A_24 = arith.addf %slice3A, %slice3A_10 : vector<64x1xf32>
    %sub3A_25 = arith.subf %add3A_24, %slice3A_11 : vector<64x1xf32>
    %add3A_26 = arith.addf %sub3A_25, %slice3A_12 : vector<64x1xf32>
    %sub3A_27 = arith.subf %add3A_26, %slice3A_13 : vector<64x1xf32>
    %add3A_28 = arith.addf %sub3A_27, %slice3A_14 : vector<64x1xf32>
    %sub3A_29 = arith.subf %add3A_28, %slice3A_15 : vector<64x1xf32>
    %sub3A_30 = arith.subf %sub3A_29, %slice3A_16 : vector<64x1xf32>
    %mul3A_31 = arith.constant 0.577350259 : f32
    %mul3A_32 = vector.broadcast %mul3A_31 : f32 to vector<64x1xf32>
    %mul3A_33 = arith.mulf %sub3A_30, %mul3A_32 : vector<64x1xf32>
    %add3A_34 = arith.addf %slice3A, %slice3A_10 : vector<64x1xf32>
    %add3A_35 = arith.addf %add3A_34, %slice3A_11 : vector<64x1xf32>
    %sub3A_36 = arith.subf %add3A_35, %slice3A_12 : vector<64x1xf32>
    %add3A_37 = arith.addf %sub3A_36, %slice3A_13 : vector<64x1xf32>
    %sub3A_38 = arith.subf %add3A_37, %slice3A_14 : vector<64x1xf32>
    %sub3A_39 = arith.subf %sub3A_38, %slice3A_15 : vector<64x1xf32>
    %sub3A_40 = arith.subf %sub3A_39, %slice3A_16 : vector<64x1xf32>
    %mul3A_41 = arith.constant 0.577350259 : f32
    %mul3A_42 = vector.broadcast %mul3A_41 : f32 to vector<64x1xf32>
    %mul3A_43 = arith.mulf %sub3A_40, %mul3A_42 : vector<64x1xf32>
    %concatenate3A = tpu.concatenate %mul3A_23, %mul3A_33, %mul3A_43 in 1 : vector<64x1xf32>, vector<64x1xf32>, vector<64x1xf32> -> vector<64x3xf32>
    %get3A_44 = arith.constant 0 : index
    %get3A_45 = arith.constant 0 : index
    %get3A_46 = vector.load %arg5[%get3A_44, %get3A_45] : memref<64x1xf32, #tpu.memory_space<vmem>>, vector<64x1xf32>
    %concatenate3A_47 = tpu.concatenate %concatenate3A, %get3A_46 in 1 : vector<64x3xf32>, vector<64x1xf32> -> vector<64x4xf32>
    %broadcast_in_dim3A = arith.constant 1.000000e+00 : f32
    %broadcast_in_dim3A_48 = vector.broadcast %broadcast_in_dim3A : f32 to vector<1x16384xf32>
    %concatenate3A_49 = tpu.concatenate %reshape3A, %reshape3A_3, %reshape3A_6 in 0 : vector<1x16384xf32>, vector<1x16384xf32>, vector<1x16384xf32> -> vector<3x16384xf32>
    %concatenate3A_50 = tpu.concatenate %concatenate3A_49, %broadcast_in_dim3A_48 in 0 : vector<3x16384xf32>, vector<1x16384xf32> -> vector<4x16384xf32>
    %broadcast_in_dim3A_51 = arith.constant 1.562500e-02 : f32
    %broadcast_in_dim3A_52 = vector.broadcast %broadcast_in_dim3A_51 : f32 to vector<1x64xf32>
    %dot_general3A = arith.constant dense<0.000000e+00> : vector<1x3xf32>
    %dot_general3A_53 = tpu.matmul %broadcast_in_dim3A_52, %concatenate3A, %dot_general3A {dimension_numbers = #tpu.dot_dimension_numbers<[1], [0], [0], [1], [0, 0, 1, 1], [], []>, transpose_lhs_hint = false} : vector<1x64xf32>, vector<64x3xf32>, vector<1x3xf32> -> vector<1x3xf32>
    %get3A_54 = arith.constant 0 : index
    %get3A_55 = arith.constant 0 : index
    %get3A_56 = vector.load %arg5[%get3A_54, %get3A_55] : memref<64x1xf32, #tpu.memory_space<vmem>>, vector<64x1xf32>
    %dot_general3A_57 = arith.constant dense<0.000000e+00> : vector<1x1xf32>
    %dot_general3A_58 = tpu.matmul %broadcast_in_dim3A_52, %get3A_56, %dot_general3A_57 {dimension_numbers = #tpu.dot_dimension_numbers<[1], [0], [0], [1], [0, 0, 1, 1], [], []>, transpose_lhs_hint = false} : vector<1x64xf32>, vector<64x1xf32>, vector<1x1xf32> -> vector<1x1xf32>
    %dot_general3A_59 = arith.constant dense<0.000000e+00> : vector<1x16384xf32>
    %dot_general3A_60 = tpu.matmul %dot_general3A_53, %concatenate3A_49, %dot_general3A_59 {dimension_numbers = #tpu.dot_dimension_numbers<[1], [0], [0], [1], [0, 0, 1, 1], [], []>, transpose_lhs_hint = false} : vector<1x3xf32>, vector<3x16384xf32>, vector<1x16384xf32> -> vector<1x16384xf32>
    %add3A_61 = vector.broadcast %dot_general3A_58 : vector<1x1xf32> to vector<1x16384xf32>
    %add3A_62 = arith.addf %dot_general3A_60, %add3A_61 : vector<1x16384xf32>
    %dot_general3A_63 = arith.constant dense<0.000000e+00> : vector<4x4xf32>
    %dot_general3A_64 = tpu.matmul %concatenate3A_47, %concatenate3A_47, %dot_general3A_63 {dimension_numbers = #tpu.dot_dimension_numbers<[0], [0], [1], [1], [0, 1, 1, 1], [], []>, transpose_lhs_hint = false} : vector<64x4xf32>, vector<64x4xf32>, vector<4x4xf32> -> vector<4x4xf32>
    %mul3A_65 = arith.constant 1.562500e-02 : f32
    %mul3A_66 = vector.broadcast %mul3A_65 : f32 to vector<4x4xf32>
    %mul3A_67 = arith.mulf %dot_general3A_64, %mul3A_66 : vector<4x4xf32>
    %dot_general3A_68 = arith.constant dense<0.000000e+00> : vector<4x16384xf32>
    %dot_general3A_69 = tpu.matmul %mul3A_67, %concatenate3A_50, %dot_general3A_68 {dimension_numbers = #tpu.dot_dimension_numbers<[1], [0], [0], [1], [0, 0, 1, 1], [], []>, transpose_lhs_hint = false} : vector<4x4xf32>, vector<4x16384xf32>, vector<4x16384xf32> -> vector<4x16384xf32>
    %mul3A_70 = arith.mulf %dot_general3A_69, %concatenate3A_50 : vector<4x16384xf32>
    %slice3A_71 = vector.extract_strided_slice %mul3A_70 {offsets = [0, 0], sizes = [1, 16384], strides = [1, 1]} : vector<4x16384xf32> to vector<1x16384xf32>
    %slice3A_72 = vector.extract_strided_slice %mul3A_70 {offsets = [1, 0], sizes = [1, 16384], strides = [1, 1]} : vector<4x16384xf32> to vector<1x16384xf32>
    %add3A_73 = arith.addf %slice3A_71, %slice3A_72 : vector<1x16384xf32>
    %slice3A_74 = vector.extract_strided_slice %mul3A_70 {offsets = [2, 0], sizes = [1, 16384], strides = [1, 1]} : vector<4x16384xf32> to vector<1x16384xf32>
    %add3A_75 = arith.addf %add3A_73, %slice3A_74 : vector<1x16384xf32>
    %slice3A_76 = vector.extract_strided_slice %mul3A_70 {offsets = [3, 0], sizes = [1, 16384], strides = [1, 1]} : vector<4x16384xf32> to vector<1x16384xf32>
    %add3A_77 = arith.addf %add3A_75, %slice3A_76 : vector<1x16384xf32>
    %mul3A_78 = arith.mulf %add3A_62, %add3A_62 : vector<1x16384xf32>
    %sub3A_79 = arith.subf %add3A_77, %mul3A_78 : vector<1x16384xf32>
    %add3A_80 = arith.constant 9.99999974E-6 : f32
    %add3A_81 = vector.broadcast %add3A_80 : f32 to vector<1x16384xf32>
    %add3A_82 = arith.addf %sub3A_79, %add3A_81 : vector<1x16384xf32>
    %rsqrt3A = math.rsqrt %add3A_82 : vector<1x16384xf32>
    %get3A_83 = arith.constant 0 : index
    %get3A_84 = arith.constant 0 : index
    %get3A_85 = vector.load %arg6[%get3A_83, %get3A_84] : memref<64x1xf32, #tpu.memory_space<vmem>>, vector<64x1xf32>
    %mul3A_86 = vector.broadcast %get3A_85 : vector<64x1xf32> to vector<64x3xf32>
    %mul3A_87 = arith.mulf %concatenate3A, %mul3A_86 : vector<64x3xf32>
    %get3A_88 = arith.constant 0 : index
    %get3A_89 = arith.constant 0 : index
    %get3A_90 = vector.load %arg5[%get3A_88, %get3A_89] : memref<64x1xf32, #tpu.memory_space<vmem>>, vector<64x1xf32>
    %mul3A_91 = arith.mulf %get3A_90, %get3A_85 : vector<64x1xf32>
    %get3A_92 = arith.constant 0 : index
    %get3A_93 = arith.constant 0 : index
    %get3A_94 = vector.load %arg7[%get3A_92, %get3A_93] : memref<64x1xf32, #tpu.memory_space<vmem>>, vector<64x1xf32>
    %concatenate3A_95 = tpu.concatenate %mul3A_87, %mul3A_91, %get3A_85, %get3A_94 in 1 : vector<64x3xf32>, vector<64x1xf32>, vector<64x1xf32>, vector<64x1xf32> -> vector<64x6xf32>
    %mul3A_96 = arith.mulf %reshape3A, %rsqrt3A : vector<1x16384xf32>
    %mul3A_97 = arith.mulf %reshape3A_3, %rsqrt3A : vector<1x16384xf32>
    %mul3A_98 = arith.mulf %reshape3A_6, %rsqrt3A : vector<1x16384xf32>
    %mul3A_99 = arith.mulf %add3A_62, %rsqrt3A : vector<1x16384xf32>
    %neg3A = arith.constant 0.000000e+00 : f32
    %neg3A_100 = vector.broadcast %neg3A : f32 to vector<1x16384xf32>
    %neg3A_101 = arith.subf %neg3A_100, %mul3A_99 : vector<1x16384xf32>
    %concatenate3A_102 = tpu.concatenate %mul3A_96, %mul3A_97, %mul3A_98, %rsqrt3A, %neg3A_101, %broadcast_in_dim3A_48 in 0 : vector<1x16384xf32>, vector<1x16384xf32>, vector<1x16384xf32>, vector<1x16384xf32>, vector<1x16384xf32>, vector<1x16384xf32> -> vector<6x16384xf32>
    %dot_general3A_103 = arith.constant dense<0.000000e+00> : vector<64x16384xf32>
    %dot_general3A_104 = tpu.matmul %concatenate3A_95, %concatenate3A_102, %dot_general3A_103 {dimension_numbers = #tpu.dot_dimension_numbers<[1], [0], [0], [1], [0, 0, 1, 1], [], []>, transpose_lhs_hint = false} : vector<64x6xf32>, vector<6x16384xf32>, vector<64x16384xf32> -> vector<64x16384xf32>
    %swap3A = arith.constant 0 : index
    %swap3A_105 = arith.constant 0 : index
    %swap3A_106 = vector.load %arg8[%swap3A, %swap3A_105] : memref<64x16384xf32, #tpu.memory_space<vmem>>, vector<64x16384xf32>
    tpu.vector_store %arg8[%swap3A, %swap3A_105], %dot_general3A_104 {strides = array<i32>} : memref<64x16384xf32, #tpu.memory_space<vmem>>, vector<64x16384xf32>,
    return
  }
  func.func @transform_0(%arg0: i32) -> i32 {
    %c0_i32 = arith.constant 0 : i32
    return %arg0 : i32
  }
  func.func @transform_1(%arg0: i32) -> i32 {
    %c0_i32 = arith.constant 0 : i32
    return %arg0 : i32
  }
  func.func @transform_2(%arg0: i32) -> i32 {
    %c0_i32 = arith.constant 0 : i32
    return %arg0 : i32
  }
  func.func @transform_3(%arg0: i32) -> (i32, i32) {
    %c0_i32 = arith.constant 0 : i32
    %c0_i32_0 = arith.constant 0 : i32
    %c0_i32_1 = arith.constant 0 : i32
    return %c0_i32, %c0_i32_0 : i32, i32
  }
  func.func @transform_4(%arg0: i32) -> (i32, i32) {
    %c0_i32 = arith.constant 0 : i32
    %c0_i32_0 = arith.constant 0 : i32
    %c0_i32_1 = arith.constant 0 : i32
    return %c0_i32, %c0_i32_0 : i32, i32
  }
  func.func @transform_5(%arg0: i32) -> (i32, i32) {
    %c0_i32 = arith.constant 0 : i32
    %c0_i32_0 = arith.constant 0 : i32
    %c0_i32_1 = arith.constant 0 : i32
    return %c0_i32, %c0_i32_0 : i32, i32
  }
  func.func @transform_6(%arg0: i32) -> (i32, i32) {
    %c0_i32 = arith.constant 0 : i32
    %c0_i32_0 = arith.constant 0 : i32
    %c0_i32_1 = arith.constant 0 : i32
    return %c0_i32, %c0_i32_0 : i32, i32
  }
  func.func @transform_7(%arg0: i32) -> (i32, i32) {
    %c0_i32 = arith.constant 0 : i32
    %c0_i32_0 = arith.constant 0 : i32
    return %c0_i32, %arg0 : i32, i32
  }
}

</mosaic_0001>

<sc_bundles>
// kernel: kernel.5.cloned.1.call-start
scs
__scs_entry_jumppad:
0x0: {  	(pc) =	sbr.rel $0x88, $3  }
0x1: {  	(tag) =	ssettag $0x0;
	lr =	simm.s32 $0x1  }
0x2: {  	[smem:$0x3F9B] =	sst lr;
	_ =	strace $0xD0000000  }
0x3: {  	_ = 	snop  }
0x4: {  	_ = 	snop  }
0x5: {  	_ = 	snop  }
0x6: {  	_ = 	snop  }
0x7: {  	_ = 	snop  }
__scs_overlays_trampoline_lowered:
0x8: {  	[smem:$0x3FAA] =	sst s0  }
0x9: {  	[smem:$0x3FAB] =	sst s1  }
0xa: {  	[smem:$0x3FAC] =	sst s2  }
0xb: {  	[smem:$0x3FAD] =	sst s3  }
0xc: {  	[smem:$0x3FAE] =	sst s4  }
0xd: {  	[smem:$0x3FAF] =	sst s5  }
0xe: {  	[smem:$0x3FB0] =	sst s6  }
0xf: {  	[smem:$0x3FB1] =	sst s7  }
0x10: {  	[smem:$0x3FB2] =	sst s8  }
0x11: {  	[smem:$0x3FB3] =	sst s9;
	s0 =	simm.s32 @!p0 $0x0  }
0x12: {  	s1 =	sld [smem:$0x3F99];
	s0 =	simm.s32 @p0 $0x1  }
0x13: {  	[smem:$0x3FB4] =	sst s0;
	s0 =	simm.s32 @!p1 $0x0  }
0x14: {  	s2 =	sld [smem:$0x3F98];
	s0 =	simm.s32 @p1 $0x1  }
0x15: {  	[smem:$0x3FB5] =	sst s0;
	s0 =	simm.s32 @!p2 $0x0  }
0x16: {  	s3 =	sld [smem:$0x3FDB];
	s0 =	simm.s32 @p2 $0x1  }
0x17: {  	s4 =	simm.s32 $0x1BF5;
	[smem:$0x3FB7] =	sst s0  }
0x18: {  	s0 =	sld [smem:$0x3F9A];
	_ =	swait.ge [sflag:s4], $0x0  }
0x19: {  	s7 =	sld [smem:$0x3F9B]  }
0x1a: {  	s8 =	sadd.s32 $0xFFFFE003, lr  }
0x1b: {  	s9 =	sadd.s32 $0xFFFFFEF7, lr;
	s5 =	simm.s32 $0xFFFFFFFF;
	p2 =	slt.u32 s8, $0xFFFFF086  }
0x1c: {  	p1 =	slt.u32 s9, $0xF7A;
	s5 =	simm.s32 @!p2 $0x0  }
0x1d: {  	s5 =	simm.s32 @p1 $0x1;
	p0 =	seq.s32 s7, s2  }
0x1e: {  	s7 =	smul.u32 @!p0 $0xF7A, s2;
	p2 =	seq.s32 @!p0 s5, $0x0  }
0x1f: {  	s9 =	smul.u32 $0xF7A, s1;
	s8 =	simm.s32 @!p0 $0x1BF5;
	p2 =	por !p2, p0  }
0x20: {  	[sflag:s8] =	ssyncset.s32 @!p0 $0xFFFFF086;
	s6 =	sadd.s32 @!p0 s3, s7;
	s7 =	simm.s32 @!p0 $0x108  }
0x21: {  	s3 =	sadd.s32 s3, s9;
	s6 =	sadd.s32 @!p0 $0x88, s6;
	s7 =	simm.s32 @p2 $0x1082  }
0x22: {  	[simem:s7], [sflag:s8] =	dma.local @!p0 [hbm:s6], $0xF7A  }
0x23: {  	s9 =	sor.u32 $0xD0000000, s2;
	s6 =	simm.s32 $0x108;
	_ =	swait.ge @!p0 [sflag:s8], $0x0  }
0x24: {  	s3 =	sadd.s32 $0x88, s3;
	s6 =	simm.s32 @!p1 $0x1082;
	[sflag:s4] =	ssyncset.s32 $0xFFFFF086  }
0x25: {  	[simem:s6], [sflag:s4] =	dma.local [hbm:s3], $0xF7A  }
0x26: {  	[smem:$0x3F9B] =	sst s1;
	(tag) =	ssettag s2;
	_ =	strace s9  }
0x27: {  	s1 =	sld [smem:$0x3FAB]  }
0x28: {  	s2 =	sld [smem:$0x3FAC]  }
0x29: {  	s4 =	sld [smem:$0x3FAE]  }
0x2a: {  	p0 =	seq.s32 s5, $0x0;
	s5 =	sld [smem:$0x3FAF]  }
0x2b: {  	s6 =	sld [smem:$0x3FB0]  }
0x2c: {  	s7 =	sld [smem:$0x3FB1]  }
0x2d: {  	s3 =	simm.s32 $0x108;
	s8 =	sld [smem:$0x3FB2]  }
0x2e: {  	s3 =	simm.s32 @!p0 $0x1082;
	s9 =	sld [smem:$0x3FB3]  }
0x2f: {  	lr =	sadd.s32 s0, s3;
	s0 =	sld [smem:$0x3FAA]  }
0x30: {  	s3 =	sld [smem:$0x3FAD]  }
0x31: {  	[smem:$0x3FB6] =	sst s10  }
0x32: {  	s10 =	sld [smem:$0x3FB4];
	_ =	sdelay $0x3  }
0x33: {  	p0 =	seq.s32 s10, $0x1;
	s10 =	sld [smem:$0x3FB6];
	_ =	sdelay $0x3  }
0x34: {  	[smem:$0x3FB6] =	sst s10  }
0x35: {  	s10 =	sld [smem:$0x3FB5];
	_ =	sdelay $0x3  }
0x36: {  	p1 =	seq.s32 s10, $0x1;
	s10 =	sld [smem:$0x3FB6];
	_ =	sdelay $0x3  }
0x37: {  	[smem:$0x3FB6] =	sst s10  }
0x38: {  	s10 =	sld [smem:$0x3FB7]  }
0x39: {  	_ = 	snop;
	(pc) =	sbr.ind lr, $3  }
0x3a: {  	_ = 	snop  }
0x3b: {  	_ = 	snop  }
0x3c: {  	p2 =	seq.s32 s10, $0x1;
	s10 =	sld [smem:$0x3FB6]  }
0x3d: {  	_ =	shalt  }
0x3e: {  	_ =	shalt  }
0x3f: {  	_ =	shalt  }
0x40: {  	_ =	shalt  }
0x41: {  	_ =	shalt  }
0x42: {  	_ =	shalt  }
0x43: {  	_ =	shalt  }
0x44: {  	_ =	shalt  }
0x45: {  	_ =	shalt  }
0x46: {  	_ =	shalt  }
0x47: {  	_ =	shalt  }
0x48: {  	_ =	shalt  }
0x49: {  	_ =	shalt  }
0x4a: {  	_ =	shalt  }
0x4b: {  	_ =	shalt  }
0x4c: {  	_ =	shalt  }
0x4d: {  	_ =	shalt  }
0x4e: {  	_ =	shalt  }
0x4f: {  	_ =	shalt  }
0x50: {  	_ =	shalt  }
0x51: {  	_ =	shalt  }
0x52: {  	_ =	shalt  }
0x53: {  	_ =	shalt  }
0x54: {  	_ =	shalt  }
0x55: {  	_ =	shalt  }
0x56: {  	_ =	shalt  }
0x57: {  	_ =	shalt  }
0x58: {  	_ =	shalt  }
0x59: {  	_ =	shalt  }
0x5a: {  	_ =	shalt  }
0x5b: {  	_ =	shalt  }
0x5c: {  	_ =	shalt  }
0x5d: {  	_ =	shalt  }
0x5e: {  	_ =	shalt  }
0x5f: {  	_ =	shalt  }
0x60: {  	_ =	shalt  }
0x61: {  	_ =	shalt  }
0x62: {  	_ =	shalt  }
0x63: {  	_ =	shalt  }
0x64: {  	_ =	shalt  }
0x65: {  	_ =	shalt  }
0x66: {  	_ =	shalt  }
0x67: {  	_ =	shalt  }
0x68: {  	_ =	shalt  }
0x69: {  	_ =	shalt  }
0x6a: {  	_ =	shalt  }
0x6b: {  	_ =	shalt  }
0x6c: {  	_ =	shalt  }
0x6d: {  	_ =	shalt  }
0x6e: {  	_ =	shalt  }
0x6f: {  	_ =	shalt  }
0x70: {  	_ =	shalt  }
0x71: {  	_ =	shalt  }
0x72: {  	_ =	shalt  }
0x73: {  	_ =	shalt  }
0x74: {  	_ =	shalt  }
0x75: {  	_ =	shalt  }
0x76: {  	_ =	shalt  }
0x77: {  	_ =	shalt  }
0x78: {  	_ =	shalt  }
0x79: {  	_ =	shalt  }
0x7a: {  	_ =	shalt  }
0x7b: {  	_ =	shalt  }
0x7c: {  	_ =	shalt  }
0x7d: {  	_ =	shalt  }
0x7e: {  	_ =	shalt  }
0x7f: {  	_ =	shalt  }
0x80: {  	_ =	shalt  }
0x81: {  	_ =	shalt  }
0x82: {  	_ =	shalt  }
0x83: {  	_ =	shalt  }
0x84: {  	_ =	shalt  }
0x85: {  	_ =	shalt  }
0x86: {  	_ =	shalt  }
0x87: {  	_ =	shalt  }
.Lfunc_end0:
.L_simem_size_0:
called_computation_lowered:
.L_overlay_start_0:
0x88: {  	s2 =	sld [smem:$0x3FD9]  }
0x89: {  	s3 =	sld [smem:$0x3FFE];
	_ =	sdelay $0x1  }
0x8a: {  	s1 =	srdreg.scid  }
0x8b: {  	s0 =	sand.u32 $0x1, s1  }
0x8c: {  	s17 =	sshll.u32 s0, $0xA;
	s2 =	sadd.s32 s3, s2  }
0x8d: {  	s2 =	sadd.s32 s2, s17  }
0x8e: {  	[smem:$0x3FC2] =	sst s2  }
0x8f: {  	_ = 	snop  }
0x90: {  	s2 =	sld [smem:$0x3FC8]  }
0x91: {  	s18 =	sld [smem:$0x3FD0];
	(tm) =	ssettm $0x1  }
0x92: {  	s4 =	sld [smem:$0x3FFB];
	_ =	sdelay $0x3  }
0x93: {  	_ =	strace s4  }
0x94: {  	s4 =	sld [smem:$0x3FFC];
	_ =	sdelay $0x3  }
0x95: {  	_ =	strace s4  }
0x96: {  	s4 =	sld [smem:$0x3FFD];
	_ =	sdelay $0x3  }
0x97: {  	_ =	strace s4  }
0x98: {  	_ =	strace $0x8FFFFFFF  }
0x99: {  	s19 =	sld [smem:$0x3FDB];
	_ =	sdelay $0x1  }
0x9a: {  	s5 =	simm.s32 $_scs_section_size  }
0x9b: {  	s6 =	simm.s32 $_size__tile_overlayer_lowered;
	s7 =	simm.s32 $_tile_overlayer_lowered  }
0x9c: {  	s22 =	simm.s32 $0x1BFF;
	s21 =	sshll.u32 s7, $0x1;
	s4 =	sadd.s32 s5, s19  }
0x9d: {  	s8 =	simm.s32 $0x0;
	s20 =	sshll.u32 s6, $0x1;
	s6 =	sadd.s32 s21, s4  }
0x9e: {  	[timem:s8], [sflag:s22] =	dma.local [hbm:s6], s20  }
0x9f: {  	_ =	swait.ge [sflag:s22], s20  }
0xa0: {  	s5 =	ssub.s32 $0x0, s20;
	[sflag:s22] =	ssyncset.done $0x0  }
0xa1: {  	[sflag:s22] =	ssyncadd.s32 s5;
	_ =	sdelay $0x1  }
0xa2: {  	s23 =	simm.s32 $0x1B8B  }
0xa3: {  	_ =	swait.ge [sflag:s23], $0x1  }
0xa4: {  	[sflag:s23] =	ssyncset.done $0x0  }
0xa5: {  	s25 =	simm.s32 $0x1B8E;
	s24 =	sld [smem:$0x3FFE];
	[sflag:s23] =	ssyncadd.s32 $0xFFFFFFFF  }
0xa6: {  	s26 =	simm.s32 $execute0_lowered;
	[smem:$0x3FD2] =	sst s25  }
0xa7: {  	s6 =	sshll.u32 s26, $0x1;
	_ =	strace $0x80000046;
	[dreg:$0x1] =	wrdreg $0xFFFFFFFF  }
0xa8: {  	s28 =	simm.s32 $_size_execute0_lowered;
	s4 =	sadd.s32 s4, s6;
	[dreg:$0x0] =	wrdreg $0x0  }
0xa9: {  	s6 =	sshll.u32 s28, $0x1;
	[dreg:$0x2] =	wrdreg s4  }
0xaa: {  	[dreg:$0x3] =	wrdreg s6  }
0xab: {  	[dreg:$0x4] =	wrdreg $0xC0  }
0xac: {  	_ =	task [dreg:s8], $0x5FFFF  }
0xad: {  	[dreg:$0x1] =	wrdreg $0xFFFFFFFF  }
0xae: {  	[dreg:$0x0] =	wrdreg $0x60  }
0xaf: {  	[dreg:$0x2] =	wrdreg s24  }
0xb0: {  	[dreg:$0x3] =	wrdreg s18  }
0xb1: {  	[dreg:$0x4] =	wrdreg s2  }
0xb2: {  	[dreg:$0x5] =	wrdreg $0xBB800  }
0xb3: {  	[dreg:$0x6] =	wrdreg $0x9  }
0xb4: {  	_ =	task.clear_ibuf [dreg:s8], $0x7FFFF;
	_ =	strace $0x90000046  }
0xb5: {  	s29 =	simm.s32 $0x9;
	_ =	strace $0x80000048  }
0xb6: {  	_ =	swait.ge [sflag:s29], $0x1  }
0xb7: {  	[sflag:s29] =	ssyncadd.s32 $0xFFFFFFFF  }
0xb8: {  	_ =	strace $0x90000048  }
0xb9: {  	_ =	sfence  }
0xba: {  	s30 =	sld [smem:$0x0];
	_ =	sdelay $0x2  }
0xbb: {  	s31 =	sshll.u32 s1, $0xD;
	s1 =	sshrl.u32 s1, $0x2  }
0xbc: {  	s3 =	sand.u32 $0x4000, s31;
	s1 =	sadd.s32 s1, s30  }
0xbd: {  	s0 =	sor.u32 s3, s0;
	s1 =	sshll.u32 s1, $0x11  }
0xbe: {  	s0 =	sor.u32 s1, s0  }
0xbf: {  	s0 =	sadd.s32 $0x8F2B, s0  }
0xc0: {  	[sflag:s0] =	ssyncadd.remote.s32 $0x1  }
0xc1: {  	_ =	sfence.sel $0xFFFF  }
0xc2: {  	[dreg:$0x0] =	wrdreg $0xFFFFFFFF;
	(pc) =	sbr.abs _section_cstart, $3  }
0xc3: {  	[dreg:$0x1] =	wrdreg $0xFFFFFFFF  }
0xc4: {  	_ =	task.clear_ibuf [dreg:s8], $0x2FFFF;
	_ =	strace $0x9FFFFFFF  }
0xc5: {  	(tm) =	ssettm $0x7FFFFFFF  }
tec
execute0_lowered:
.L_overlay_start_1:
0x0: {  	(tag) =	ssettag $0x1  }
0x1: {  	s0 =	rddreg [dreg:$0x0]  }
0x2: {  	s1 =	rddreg [dreg:$0x1]  }
0x3: {  	s2 =	rddreg [dreg:$0x2]  }
0x4: {  	s3 =	rddreg [dreg:$0x3]  }
0x5: {  	s4 =	simm.s32 $0x0;
	s5 =	srdreg.scid;
	s7 =	stileid.u32  }
0x6: {  	s17 =	simm.s32 $0xFA0;
	s18 =	simm.s32 $0x1F40;
	s19 =	simm.s32 $0x2EE0  }
0x7: {  	s28 =	simm.s32 $0x7D00;
	s29 =	simm.s32 $0x3;
	s30 =	simm.s32 $0x4  }
0x8: {  	s31 =	simm.s32 $0x0;
	[smem:$0x7FF] =	sst s4;
	s6 =	sand.u32 $0x1, s5  }
0x9: {  	s20 =	sshll.u32 s7, $0x1;
	s5 =	sadd.s32 $0x31A00, s0;
	s11 =	sadd.s32 $0x62800, s0  }
0xa: {  	p0 =	sne.s32 s7, $0x0;
	_ =	strace $0x80000047;
	s8 =	smul.u32 $0xC350, s6  }
0xb: {  	s9 =	sor.u32 s6, s20;
	s10 =	ssub.s32 $0x2, s6;
	s6 =	sadd.s32 $0xC00, s0  }
0xc: {  	[dreg:$0x5] =	wrdreg s11;
	s16 =	sshrl.u32 @!p0 s3, $0x3;
	s9 =	smul.u32 $0xC350, s9  }
0xd: {  	s20 =	simm.s32 $0x1;
	s21 =	sshrl.u32 s10, $0x1;
	s0 =	sadd.s32 s8, s0  }
0xe: {  	s22 =	ssub.s32 s10, s21;
	s23 =	sshrl.u32 s9, $0x3;
	s0 =	sadd.s32 $0x6EC00, s0  }
0xf: {  	s21 =	simm.s32 $0x7D0;
	s24 =	sadd.s32 s2, s23;
	[dreg:$0xa] =	wrdreg s0  }
0x10: {  	s12 =	sadd.s32 $0x7D0, s9;
	s25 =	sadd.s32 s5, s23;
	[dreg:$0x6] =	wrdreg s24  }
0x11: {  	s13 =	sadd.s32 $0xFA0, s9;
	s26 =	sadd.s32 s6, s23;
	[dreg:$0x7] =	wrdreg s25  }
0x12: {  	s15 =	smax.u32 s22, $0x1;
	s10 =	sadd.s32 s1, s23;
	[dreg:$0x8] =	wrdreg s26  }
0x13: {  	v0 =	vlaneseq.u32;
	s22 =	simm.s32 $0x1770;
	s23 =	simm.s32 $0x2710;
	[dreg:$0x9] =	wrdreg s10  }
0x14: {  	v1 =	vimm.f32 $1.000000000e+00;
	v0 =	vmul.u32 $0x8, v0;
	s24 =	simm.s32 $0x36B0;
	s25 =	simm.s32 $0x3E80;
	s26 =	simm.s32 $0x2  }
.LBB2_1:
0x15: {  	s0 =	simm.s32 @!p0 $0x1C05;
	s7 =	rddreg [dreg:$0x5]  }
0x16: {  	[spmem:s16], [sflag:s0] =	dma.local @!p0 [hbm:s7], $0xC350  }
0x17: {  	s0 =	simm.s32 @!p0 $0x5  }
0x18: {  	_ =	swait.ge @!p0 [sflag:s0], $0xC350  }
0x19: {  	[sflag:s0] =	ssyncset.done @!p0 $0x0  }
0x1a: {  	[sflag:s0] =	ssyncadd.s32 @!p0 $0xFFFF3CB0  }
0x1b: {  	[bflag:$0x0] =	sbarrier.arrive $0xFFFF  }
0x1c: {  	s9 =	rddreg [dreg:$0x6]  }
0x1d: {  	[tilespmem:s4], [sflag:$0x1] =	stream.linear.gather [hbm4b:s9+s4], $0x7D0, $0x38;
	[tilespmem:$0x11D28] =	vst v63  }
0x1e: {  	s10 =	rddreg [dreg:$0x7]  }
0x1f: {  	[tilespmem:s17], [sflag:$0x1] =	stream.linear.gather [hbm4b:s10+s4], $0x7D0, $0x38;
	[tilespmem:$0x11D28] =	vst v63  }
0x20: {  	s11 =	rddreg [dreg:$0x8]  }
0x21: {  	[tilespmem:s18], [sflag:$0x1] =	stream.linear.gather [hbm4b:s11+s4], $0x7D0, $0x38;
	[tilespmem:$0x11D28] =	vst v63  }
0x22: {  	s0 =	simm.s32 $0x0;
	s14 =	rddreg [dreg:$0x9]  }
0x23: {  	[tilespmem:s19], [sflag:$0x1] =	stream.linear.gather [hbm4b:s14+s4], $0x7D0, $0x38;
	[tilespmem:$0x11D28] =	vst v63  }
.LBB2_2:
0x24: {  	p1 =	seq.s32 s0, $0x0  }
0x25: {  	s7 =	simm.s32 @!p1 $0x4  }
0x26: {  	_ =	swait.ge @!p1 [sflag:s7], $0x3E80  }
0x27: {  	[sflag:s7] =	ssyncset.done @!p1 $0x0  }
0x28: {  	[sflag:s7] =	ssyncadd.s32 @!p1 $0xFFFFC180  }
0x29: {  	_ =	swait.ge [sflag:s20], $0x7D0  }
0x2a: {  	[sflag:s20] =	ssyncset.done $0x0  }
0x2b: {  	[sflag:s20] =	ssyncadd.s32 $0xFFFFF830  }
0x2c: {  	_ =	swait.ge [sflag:s20], $0x7D0  }
0x2d: {  	[sflag:s20] =	ssyncset.done $0x0  }
0x2e: {  	[sflag:s20] =	ssyncadd.s32 $0xFFFFF830  }
0x2f: {  	_ =	swait.ge [sflag:s20], $0x7D0  }
0x30: {  	s7 =	smul.u32 $0xFA0, s0;
	[sflag:s20] =	ssyncset.done $0x0  }
0x31: {  	[sflag:s20] =	ssyncadd.s32 $0xFFFFF830  }
0x32: {  	s8 =	sadd.s32 s7, s12;
	_ =	swait.ge [sflag:s20], $0x7D0  }
0x33: {  	s8 =	sshrl.u32 s8, $0x3;
	[sflag:s20] =	ssyncset.done $0x0  }
0x34: {  	s11 =	simm.s32 $0x0;
	s9 =	sadd.s32 s2, s8;
	[sflag:s20] =	ssyncadd.s32 $0xFFFFF830  }
0x35: {  	[tilespmem:s21], [sflag:$0x2] =	stream.linear.gather [hbm4b:s9+s11], $0x7D0, $0x38;
	[tilespmem:$0x11D28] =	vst v63  }
0x36: {  	s10 =	sadd.s32 s5, s8  }
0x37: {  	[tilespmem:s22], [sflag:$0x2] =	stream.linear.gather [hbm4b:s10+s11], $0x7D0, $0x38;
	[tilespmem:$0x11D28] =	vst v63  }
0x38: {  	s14 =	sadd.s32 s6, s8  }
0x39: {  	[tilespmem:s23], [sflag:$0x2] =	stream.linear.gather [hbm4b:s14+s11], $0x7D0, $0x38;
	[tilespmem:$0x11D28] =	vst v63  }
0x3a: {  	s8 =	sadd.s32 s1, s8  }
0x3b: {  	[tilespmem:s24], [sflag:$0x2] =	stream.linear.gather [hbm4b:s8+s11], $0x7D0, $0x38;
	[tilespmem:$0x11D28] =	vst v63  }
0x3c: {  	s8 =	simm.s32 $0xFA0  }
0x3d: {  	s9 =	simm.s32 $0x1F40;
	v2 =	vld [tilespmem:s8+$0x0]  }
0x3e: {  	v3 =	vld [tilespmem:s9+$0x0]  }
0x3f: {  	s10 =	simm.s32 $0x2EE0  }
0x40: {  	v4 =	vld [tilespmem:s10+$0x0];
	_ =	sdelay $0x2  }
0x41: {  	v5 =	vmul.f32 v2, v2;
	v6 =	vmul.f32 v3, v3;
	_ =	sdelay $0x1  }
0x42: {  	v61 =	vmul.f32 v4, v4;
	v5 =	vadd.f32 v6, v5;
	_ =	sdelay $0x1  }
0x43: {  	v5 =	vadd.f32 v61, v5;
	_ =	sdelay $0x1  }
0x44: {  	v6 =	vshrl.u32 v5, $0x1;
	v5 =	vmul.f32 $5.000000000e-01, v5  }
0x45: {  	v6 =	vsub.s32 $0x5F3759DF, v6  }
0x46: {  	v7 =	vmul.f32 v6, v5;
	_ =	sdelay $0x1  }
0x47: {  	v7 =	vmul.f32 v6, v7;
	_ =	sdelay $0x1  }
0x48: {  	v7 =	vsub.f32 $1.500000000e+00, v7;
	_ =	sdelay $0x1  }
0x49: {  	v6 =	vmul.f32 v6, v7;
	_ =	sdelay $0x1  }
0x4a: {  	v5 =	vmul.f32 v6, v5;
	_ =	sdelay $0x1  }
0x4b: {  	v5 =	vmul.f32 v5, v6;
	_ =	sdelay $0x1  }
0x4c: {  	v5 =	vsub.f32 $1.500000000e+00, v5;
	_ =	sdelay $0x1  }
0x4d: {  	v5 =	vmul.f32 v5, v6;
	_ =	sdelay $0x1  }
0x4e: {  	v6 =	vmul.f32 v5, v5  }
0x4f: {  	v62 =	vmov s11  }
0x50: {  	v7 =	vshll.u32 v62, $0x3;
	v6 =	vmul.f32 $-9.999999930e-09, v6  }
0x51: {  	v7 =	vor.u32 v0, v7  }
0x52: {  	v5 =	vadd.f32 v6, v5;
	_ =	sdelay $0x1  }
0x53: {  	v63 =	vor.u32 $0x1, v7;
	v2 =	vmul.f32 v5, v2  }
0x54: {  	v8 =	vor.u32 $0x2, v7  }
0x55: {  	[tilespmem:v7+s25+$0x0] =	vst.idx.msk $0xffff, v2;
	v2 =	vor.u32 $0x3, v7  }
0x56: {  	v3 =	vmul.f32 v5, v3  }
0x57: {  	v4 =	vmul.f32 v5, v4  }
0x58: {  	[tilespmem:v63+s25+$0x0] =	vst.idx.msk $0xffff, v3  }
0x59: {  	s11 =	simm.s32 $0x10;
	[tilespmem:v8+s25+$0x0] =	vst.idx.msk $0xffff, v4  }
.LBB2_3:
0x5a: {  	[tilespmem:v2+s25+$0x0] =	vst.idx.msk $0xffff, v1;
	s8 =	sadd.s32 $0x10, s8;
	s9 =	sadd.s32 $0x10, s9;
	s10 =	sadd.s32 $0x10, s10  }
0x5b: {  	p1 =	sne.s32 s11, $0x7C0;
	s14 =	smov.u32 s11;
	s11 =	sadd.s32 $0x10, s11;
	v2 =	vld [tilespmem:s8+$0x0]  }
0x5c: {  	v3 =	vld [tilespmem:s9+$0x0];
	_ =	sdelay $0x1  }
0x5d: {  	v4 =	vld [tilespmem:s10+$0x0];
	_ =	sdelay $0x2  }
0x5e: {  	v5 =	vmul.f32 v2, v2;
	v6 =	vmul.f32 v3, v3;
	_ =	sdelay $0x1  }
0x5f: {  	v5 =	vadd.f32 v6, v5;
	v6 =	vmul.f32 v4, v4;
	_ =	sdelay $0x1  }
0x60: {  	v5 =	vadd.f32 v6, v5;
	_ =	sdelay $0x1  }
0x61: {  	v6 =	vshrl.u32 v5, $0x1;
	v5 =	vmul.f32 $5.000000000e-01, v5  }
0x62: {  	v6 =	vsub.s32 $0x5F3759DF, v6  }
0x63: {  	v7 =	vmul.f32 v6, v5;
	_ =	sdelay $0x1  }
0x64: {  	v7 =	vmul.f32 v6, v7;
	_ =	sdelay $0x1  }
0x65: {  	v7 =	vsub.f32 $1.500000000e+00, v7;
	_ =	sdelay $0x1  }
0x66: {  	v6 =	vmul.f32 v6, v7;
	_ =	sdelay $0x1  }
0x67: {  	v5 =	vmul.f32 v6, v5;
	_ =	sdelay $0x1  }
0x68: {  	v5 =	vmul.f32 v5, v6;
	_ =	sdelay $0x1  }
0x69: {  	v5 =	vsub.f32 $1.500000000e+00, v5;
	_ =	sdelay $0x1  }
0x6a: {  	v5 =	vmul.f32 v5, v6;
	_ =	sdelay $0x1  }
0x6b: {  	v6 =	vmul.f32 v5, v5  }
0x6c: {  	v7 =	vmov s14  }
0x6d: {  	v7 =	vshll.u32 v7, $0x3;
	v6 =	vmul.f32 $-9.999999930e-09, v6  }
0x6e: {  	v7 =	vor.u32 v0, v7  }
0x6f: {  	v5 =	vadd.f32 v6, v5;
	v6 =	vor.u32 $0x1, v7  }
0x70: {  	v8 =	vor.u32 $0x2, v7  }
.Ltmp0:
0x71: {  	v9 =	vmul.f32 v5, v2;
	v3 =	vmul.f32 v5, v3;
	v2 =	vor.u32 $0x3, v7;
	(pc) =	sbr.rel @p1 .LBB2_3-.Ltmp0, $4  }
0x72: {  	_ = 	snop  }
0x73: {  	v4 =	vmul.f32 v5, v4;
	[tilespmem:v7+s25+$0x0] =	vst.idx.msk $0xffff, v9  }
0x74: {  	[tilespmem:v6+s25+$0x0] =	vst.idx.msk $0xffff, v3  }
0x75: {  	[tilespmem:v8+s25+$0x0] =	vst.idx.msk $0xffff, v4  }
0x76: {  	_ =	sdelay $0x3  }
0x77: {  	[tilespmem:v2+s25+$0x0] =	vst.idx.msk $0xffff, v1;
	s11 =	simm.s32 $0x0  }
0x78: {  	[spmem:s3] =	stream.indirect.scatter.add.f32 [tilespmem:s25], [sflag:$0x3], $0x8, s11, s21, $0xb8;
	[tilespmem:$0x11D28] =	vst v63  }
0x79: {  	_ =	swait.ge [sflag:s26], $0x7D0  }
0x7a: {  	[sflag:s26] =	ssyncset.done $0x0  }
0x7b: {  	[sflag:s26] =	ssyncadd.s32 $0xFFFFF830  }
0x7c: {  	_ =	swait.ge [sflag:s26], $0x7D0  }
0x7d: {  	[sflag:s26] =	ssyncset.done $0x0  }
0x7e: {  	[sflag:s26] =	ssyncadd.s32 $0xFFFFF830  }
0x7f: {  	_ =	swait.ge [sflag:s26], $0x7D0  }
0x80: {  	[sflag:s26] =	ssyncset.done $0x0  }
0x81: {  	[sflag:s26] =	ssyncadd.s32 $0xFFFFF830  }
0x82: {  	_ =	swait.ge [sflag:s26], $0x7D0  }
0x83: {  	[sflag:s26] =	ssyncset.done $0x0  }
0x84: {  	s8 =	simm.s32 $0x1770;
	[sflag:s26] =	ssyncadd.s32 $0xFFFFF830  }
0x85: {  	s9 =	simm.s32 $0x2710;
	v2 =	vld [tilespmem:s8+$0x0]  }
0x86: {  	v3 =	vld [tilespmem:s9+$0x0]  }
0x87: {  	s10 =	simm.s32 $0x36B0  }
0x88: {  	v4 =	vld [tilespmem:s10+$0x0];
	_ =	sdelay $0x2  }
0x89: {  	v5 =	vmul.f32 v2, v2;
	v6 =	vmul.f32 v3, v3;
	_ =	sdelay $0x1  }
0x8a: {  	v61 =	vmul.f32 v4, v4;
	v5 =	vadd.f32 v6, v5;
	_ =	sdelay $0x1  }
0x8b: {  	v5 =	vadd.f32 v61, v5;
	_ =	sdelay $0x1  }
0x8c: {  	v6 =	vshrl.u32 v5, $0x1;
	v5 =	vmul.f32 $5.000000000e-01, v5  }
0x8d: {  	v6 =	vsub.s32 $0x5F3759DF, v6  }
0x8e: {  	v7 =	vmul.f32 v6, v5;
	_ =	sdelay $0x1  }
0x8f: {  	v7 =	vmul.f32 v6, v7;
	_ =	sdelay $0x1  }
0x90: {  	v7 =	vsub.f32 $1.500000000e+00, v7;
	_ =	sdelay $0x1  }
0x91: {  	v6 =	vmul.f32 v6, v7;
	_ =	sdelay $0x1  }
0x92: {  	v5 =	vmul.f32 v6, v5;
	_ =	sdelay $0x1  }
0x93: {  	v5 =	vmul.f32 v5, v6;
	_ =	sdelay $0x1  }
0x94: {  	v5 =	vsub.f32 $1.500000000e+00, v5;
	_ =	sdelay $0x1  }
0x95: {  	v5 =	vmul.f32 v5, v6;
	_ =	sdelay $0x1  }
0x96: {  	v6 =	vmul.f32 v5, v5  }
0x97: {  	v62 =	vmov s11  }
0x98: {  	v7 =	vshll.u32 v62, $0x3;
	v6 =	vmul.f32 $-9.999999930e-09, v6  }
0x99: {  	v7 =	vor.u32 v0, v7  }
0x9a: {  	v5 =	vadd.f32 v6, v5;
	_ =	sdelay $0x1  }
0x9b: {  	v63 =	vor.u32 $0x1, v7;
	v2 =	vmul.f32 v5, v2  }
0x9c: {  	v8 =	vor.u32 $0x2, v7  }
0x9d: {  	[tilespmem:v7+s28+$0x0] =	vst.idx.msk $0xffff, v2;
	v2 =	vor.u32 $0x3, v7  }
0x9e: {  	v3 =	vmul.f32 v5, v3  }
0x9f: {  	v4 =	vmul.f32 v5, v4  }
0xa0: {  	[tilespmem:v63+s28+$0x0] =	vst.idx.msk $0xffff, v3  }
0xa1: {  	s11 =	simm.s32 $0x10;
	[tilespmem:v8+s28+$0x0] =	vst.idx.msk $0xffff, v4  }
.LBB2_5:
0xa2: {  	[tilespmem:v2+s28+$0x0] =	vst.idx.msk $0xffff, v1;
	s8 =	sadd.s32 $0x10, s8;
	s9 =	sadd.s32 $0x10, s9;
	s10 =	sadd.s32 $0x10, s10  }
0xa3: {  	p1 =	sne.s32 s11, $0x7C0;
	s14 =	smov.u32 s11;
	s11 =	sadd.s32 $0x10, s11;
	v2 =	vld [tilespmem:s8+$0x0]  }
0xa4: {  	v3 =	vld [tilespmem:s9+$0x0];
	_ =	sdelay $0x1  }
0xa5: {  	v4 =	vld [tilespmem:s10+$0x0];
	_ =	sdelay $0x2  }
0xa6: {  	v5 =	vmul.f32 v2, v2;
	v6 =	vmul.f32 v3, v3;
	_ =	sdelay $0x1  }
0xa7: {  	v5 =	vadd.f32 v6, v5;
	v6 =	vmul.f32 v4, v4;
	_ =	sdelay $0x1  }
0xa8: {  	v5 =	vadd.f32 v6, v5;
	_ =	sdelay $0x1  }
0xa9: {  	v6 =	vshrl.u32 v5, $0x1;
	v5 =	vmul.f32 $5.000000000e-01, v5  }
0xaa: {  	v6 =	vsub.s32 $0x5F3759DF, v6  }
0xab: {  	v7 =	vmul.f32 v6, v5;
	_ =	sdelay $0x1  }
0xac: {  	v7 =	vmul.f32 v6, v7;
	_ =	sdelay $0x1  }
0xad: {  	v7 =	vsub.f32 $1.500000000e+00, v7;
	_ =	sdelay $0x1  }
0xae: {  	v6 =	vmul.f32 v6, v7;
	_ =	sdelay $0x1  }
0xaf: {  	v5 =	vmul.f32 v6, v5;
	_ =	sdelay $0x1  }
0xb0: {  	v5 =	vmul.f32 v5, v6;
	_ =	sdelay $0x1  }
0xb1: {  	v5 =	vsub.f32 $1.500000000e+00, v5;
	_ =	sdelay $0x1  }
0xb2: {  	v5 =	vmul.f32 v5, v6;
	_ =	sdelay $0x1  }
0xb3: {  	v6 =	vmul.f32 v5, v5  }
0xb4: {  	v7 =	vmov s14  }
0xb5: {  	v7 =	vshll.u32 v7, $0x3;
	v6 =	vmul.f32 $-9.999999930e-09, v6  }
0xb6: {  	v7 =	vor.u32 v0, v7  }
0xb7: {  	v5 =	vadd.f32 v6, v5;
	v6 =	vor.u32 $0x1, v7  }
0xb8: {  	v8 =	vor.u32 $0x2, v7  }
.Ltmp1:
0xb9: {  	v9 =	vmul.f32 v5, v2;
	v3 =	vmul.f32 v5, v3;
	v2 =	vor.u32 $0x3, v7;
	(pc) =	sbr.rel @p1 .LBB2_5-.Ltmp1, $4  }
0xba: {  	_ = 	snop  }
0xbb: {  	v4 =	vmul.f32 v5, v4;
	[tilespmem:v7+s28+$0x0] =	vst.idx.msk $0xffff, v9  }
0xbc: {  	[tilespmem:v6+s28+$0x0] =	vst.idx.msk $0xffff, v3  }
0xbd: {  	[tilespmem:v8+s28+$0x0] =	vst.idx.msk $0xffff, v4  }
0xbe: {  	_ =	sdelay $0x3  }
0xbf: {  	[tilespmem:v2+s28+$0x0] =	vst.idx.msk $0xffff, v1  }
0xc0: {  	s7 =	sadd.s32 s7, s13;
	_ =	swait.ge [sflag:s29], $0x3E80  }
0xc1: {  	s7 =	sshrl.u32 s7, $0x3;
	[sflag:s29] =	ssyncset.done $0x0  }
0xc2: {  	s8 =	sadd.s32 s2, s7;
	[sflag:s29] =	ssyncadd.s32 $0xFFFFC180  }
0xc3: {  	[tilespmem:s4], [sflag:$0x1] =	stream.linear.gather [hbm4b:s8+s4], $0x7D0, $0x38;
	[tilespmem:$0x11D28] =	vst v63  }
0xc4: {  	s0 =	sadd.s32 $0x1, s0;
	s11 =	sadd.s32 s5, s7  }
0xc5: {  	[tilespmem:s17], [sflag:$0x1] =	stream.linear.gather [hbm4b:s11+s4], $0x7D0, $0x38;
	[tilespmem:$0x11D28] =	vst v63  }
0xc6: {  	p1 =	sne.s32 s0, $0xC;
	s14 =	sadd.s32 s6, s7  }
0xc7: {  	[tilespmem:s18], [sflag:$0x1] =	stream.linear.gather [hbm4b:s14+s4], $0x7D0, $0x38;
	[tilespmem:$0x11D28] =	vst v63  }
.Ltmp2:
0xc8: {  	_ = 	snop;
	(pc) =	sbr.rel @p1 .LBB2_2-.Ltmp2, $4  }
0xc9: {  	s7 =	sadd.s32 s1, s7  }
0xca: {  	[tilespmem:s19], [sflag:$0x1] =	stream.linear.gather [hbm4b:s7+s4], $0x7D0, $0x38;
	[tilespmem:$0x11D28] =	vst v63  }
0xcb: {  	_ = 	snop  }
0xcc: {  	[spmem:s3] =	stream.indirect.scatter.add.f32 [tilespmem:s28], [sflag:$0x4], $0x8, s21, s21, $0xb8;
	[tilespmem:$0x11D28] =	vst v63  }
0xcd: {  	_ =	swait.ge [sflag:s30], $0x3E80  }
0xce: {  	[sflag:s30] =	ssyncset.done $0x0  }
0xcf: {  	[sflag:s30] =	ssyncadd.s32 $0xFFFFC180  }
0xd0: {  	_ =	swait.ge [sflag:s20], $0x7D0  }
0xd1: {  	[sflag:s20] =	ssyncset.done $0x0  }
0xd2: {  	[sflag:s20] =	ssyncadd.s32 $0xFFFFF830  }
0xd3: {  	_ =	swait.ge [sflag:s20], $0x7D0  }
0xd4: {  	[sflag:s20] =	ssyncset.done $0x0  }
0xd5: {  	[sflag:s20] =	ssyncadd.s32 $0xFFFFF830  }
0xd6: {  	_ =	swait.ge [sflag:s20], $0x7D0  }
0xd7: {  	[sflag:s20] =	ssyncset.done $0x0  }
0xd8: {  	[sflag:s20] =	ssyncadd.s32 $0xFFFFF830  }
0xd9: {  	_ =	swait.ge [sflag:s20], $0x7D0  }
0xda: {  	[sflag:s20] =	ssyncset.done $0x0  }
0xdb: {  	s0 =	simm.s32 $0xFA0;
	[sflag:s20] =	ssyncadd.s32 $0xFFFFF830  }
0xdc: {  	s7 =	simm.s32 $0x1F40;
	v2 =	vld [tilespmem:s0+$0x0]  }
0xdd: {  	v3 =	vld [tilespmem:s7+$0x0]  }
0xde: {  	s8 =	simm.s32 $0x2EE0  }
0xdf: {  	v4 =	vld [tilespmem:s8+$0x0];
	_ =	sdelay $0x2  }
0xe0: {  	v5 =	vmul.f32 v2, v2;
	v6 =	vmul.f32 v3, v3;
	_ =	sdelay $0x1  }
0xe1: {  	v61 =	vmul.f32 v4, v4;
	v5 =	vadd.f32 v6, v5;
	_ =	sdelay $0x1  }
0xe2: {  	v5 =	vadd.f32 v61, v5;
	_ =	sdelay $0x1  }
0xe3: {  	v6 =	vshrl.u32 v5, $0x1;
	v5 =	vmul.f32 $5.000000000e-01, v5  }
0xe4: {  	v6 =	vsub.s32 $0x5F3759DF, v6  }
0xe5: {  	v7 =	vmul.f32 v6, v5;
	_ =	sdelay $0x1  }
0xe6: {  	v7 =	vmul.f32 v6, v7;
	_ =	sdelay $0x1  }
0xe7: {  	v7 =	vsub.f32 $1.500000000e+00, v7;
	_ =	sdelay $0x1  }
0xe8: {  	v6 =	vmul.f32 v6, v7;
	_ =	sdelay $0x1  }
0xe9: {  	v5 =	vmul.f32 v6, v5;
	_ =	sdelay $0x1  }
0xea: {  	v5 =	vmul.f32 v5, v6;
	_ =	sdelay $0x1  }
0xeb: {  	v5 =	vsub.f32 $1.500000000e+00, v5;
	_ =	sdelay $0x1  }
0xec: {  	v5 =	vmul.f32 v5, v6;
	_ =	sdelay $0x1  }
0xed: {  	s9 =	simm.s32 $0x0;
	v6 =	vmul.f32 v5, v5  }
0xee: {  	v62 =	vmov s9  }
0xef: {  	v7 =	vshll.u32 v62, $0x3;
	v6 =	vmul.f32 $-9.999999930e-09, v6  }
0xf0: {  	v7 =	vor.u32 v0, v7  }
0xf1: {  	v5 =	vadd.f32 v6, v5;
	_ =	sdelay $0x1  }
0xf2: {  	v63 =	vor.u32 $0x1, v7;
	v2 =	vmul.f32 v5, v2  }
0xf3: {  	v8 =	vor.u32 $0x2, v7  }
0xf4: {  	[tilespmem:v7+s25+$0x0] =	vst.idx.msk $0xffff, v2;
	v2 =	vor.u32 $0x3, v7  }
0xf5: {  	v3 =	vmul.f32 v5, v3  }
0xf6: {  	v4 =	vmul.f32 v5, v4  }
0xf7: {  	[tilespmem:v63+s25+$0x0] =	vst.idx.msk $0xffff, v3  }
0xf8: {  	s9 =	simm.s32 $0x10;
	[tilespmem:v8+s25+$0x0] =	vst.idx.msk $0xffff, v4  }
.LBB2_8:
0xf9: {  	[tilespmem:v2+s25+$0x0] =	vst.idx.msk $0xffff, v1;
	s0 =	sadd.s32 $0x10, s0;
	s7 =	sadd.s32 $0x10, s7;
	s8 =	sadd.s32 $0x10, s8  }
0xfa: {  	p1 =	sne.s32 s9, $0x7C0;
	s10 =	smov.u32 s9;
	s9 =	sadd.s32 $0x10, s9;
	v2 =	vld [tilespmem:s0+$0x0]  }
0xfb: {  	v3 =	vld [tilespmem:s7+$0x0];
	_ =	sdelay $0x1  }
0xfc: {  	v4 =	vld [tilespmem:s8+$0x0];
	_ =	sdelay $0x2  }
0xfd: {  	v5 =	vmul.f32 v2, v2;
	v6 =	vmul.f32 v3, v3;
	_ =	sdelay $0x1  }
0xfe: {  	v5 =	vadd.f32 v6, v5;
	v6 =	vmul.f32 v4, v4;
	_ =	sdelay $0x1  }
0xff: {  	v5 =	vadd.f32 v6, v5;
	_ =	sdelay $0x1  }
0x100: {  	v6 =	vshrl.u32 v5, $0x1;
	v5 =	vmul.f32 $5.000000000e-01, v5  }
0x101: {  	v6 =	vsub.s32 $0x5F3759DF, v6  }
0x102: {  	v7 =	vmul.f32 v6, v5;
	_ =	sdelay $0x1  }
0x103: {  	v7 =	vmul.f32 v6, v7;
	_ =	sdelay $0x1  }
0x104: {  	v7 =	vsub.f32 $1.500000000e+00, v7;
	_ =	sdelay $0x1  }
0x105: {  	v6 =	vmul.f32 v6, v7;
	_ =	sdelay $0x1  }
0x106: {  	v5 =	vmul.f32 v6, v5;
	_ =	sdelay $0x1  }
0x107: {  	v5 =	vmul.f32 v5, v6;
	_ =	sdelay $0x1  }
0x108: {  	v5 =	vsub.f32 $1.500000000e+00, v5;
	_ =	sdelay $0x1  }
0x109: {  	v5 =	vmul.f32 v5, v6;
	_ =	sdelay $0x1  }
0x10a: {  	v6 =	vmul.f32 v5, v5  }
0x10b: {  	v7 =	vmov s10  }
0x10c: {  	v7 =	vshll.u32 v7, $0x3;
	v6 =	vmul.f32 $-9.999999930e-09, v6  }
0x10d: {  	v7 =	vor.u32 v0, v7  }
0x10e: {  	v5 =	vadd.f32 v6, v5;
	v6 =	vor.u32 $0x1, v7  }
0x10f: {  	v8 =	vor.u32 $0x2, v7  }
.Ltmp3:
0x110: {  	v9 =	vmul.f32 v5, v2;
	v3 =	vmul.f32 v5, v3;
	v2 =	vor.u32 $0x3, v7;
	(pc) =	sbr.rel @p1 .LBB2_8-.Ltmp3, $4  }
0x111: {  	_ = 	snop  }
0x112: {  	v4 =	vmul.f32 v5, v4;
	[tilespmem:v7+s25+$0x0] =	vst.idx.msk $0xffff, v9  }
0x113: {  	[tilespmem:v6+s25+$0x0] =	vst.idx.msk $0xffff, v3  }
0x114: {  	[tilespmem:v8+s25+$0x0] =	vst.idx.msk $0xffff, v4  }
0x115: {  	_ =	sdelay $0x3  }
0x116: {  	[tilespmem:v2+s25+$0x0] =	vst.idx.msk $0xffff, v1  }
0x117: {  	[spmem:s3] =	stream.indirect.scatter.add.f32 [tilespmem:s25], [sflag:$0x3], $0x8, s4, s21, $0xb8;
	[tilespmem:$0x11D28] =	vst v63  }
0x118: {  	_ =	swait.ge [sflag:s29], $0x3E80  }
0x119: {  	[sflag:s29] =	ssyncset.done $0x0  }
0x11a: {  	[sflag:s29] =	ssyncadd.s32 $0xFFFFC180  }
0x11b: {  	s31 =	sadd.s32 $0x1, s31;
	[bflag:$0x0] =	sbarrier.arrive $0xFFFF  }
0x11c: {  	s0 =	simm.s32 @!p0 $0x1C05;
	p1 =	sne.s32 s31, s15;
	s7 =	rddreg [dreg:$0xa]  }
0x11d: {  	[hbm:s7], [sflag:s0] =	dma.local @!p0 [spmem:s16], $0xC350  }
.Ltmp4:
0x11e: {  	_ = 	snop;
	(pc) =	sbr.rel @p1 .LBB2_1-.Ltmp4, $4  }
0x11f: {  	s0 =	simm.s32 @!p0 $0x5  }
0x120: {  	_ =	swait.ge @!p0 [sflag:s0], $0xC350  }
0x121: {  	[sflag:s0] =	ssyncset.done @!p0 $0x0  }
0x122: {  	[sflag:s0] =	ssyncadd.s32 @!p0 $0xFFFF3CB0  }
0x123: {  	_ =	sfence.sel $0x180000  }
0x124: {  	[bflag:$0x0] =	sbarrier.arrive $0xFFFF  }
0x125: {  	_ =	strace $0x90000047  }
0x126: {  	[bflag:$0x2] =	sbarrier.arrive $0xFFFF  }
0x127: {  	s0 =	rddreg [dreg:$0x4]  }
0x128: {  	s0 =	sadd.s32 @!p0 $0x100000, s0  }
0x129: {  	[sflag:s0] =	ssyncadd.tile.s32 @!p0 $0x1;
	_ =	shalt  }
.Lfunc_end2:
_tile_overlayer_lowered:
.L_overlay_start_2:
0x12a: {  	(tag) =	ssettag $0x2  }
0x12b: {  	s0 =	rddreg [dreg:$0x0];
	s2 =	stileid.u32  }
0x12c: {  	s1 =	rddreg [dreg:$0x1];
	p0 =	sne.s32 s2, $0x0  }
0x12d: {  	s3 =	rddreg [dreg:$0x2];
	[bflag:$0x3] =	sbarrier.arrive $0xFFFF;
	s2 =	simm.s32 @!p0 $0x1C05  }
0x12e: {  	[timem:s3], [sflag:s2] =	dma.local @!p0 [hbm:s0], s1  }
0x12f: {  	s0 =	simm.s32 @!p0 $0x5  }
0x130: {  	_ =	swait.ge @!p0 [sflag:s0], s1  }
0x131: {  	s1 =	ssub.s32 @!p0 $0x0, s1;
	[sflag:s0] =	ssyncset.done @!p0 $0x0  }
0x132: {  	[sflag:s0] =	ssyncadd.s32 @!p0 s1  }
0x133: {  	[bflag:$0x3] =	sbarrier.arrive $0xFFFF  }
0x134: {  	_ =	shalt  }

// kernel: kernel.8.cloned.1.call-start
scs
__scs_entry_jumppad:
0x0: {  	(pc) =	sbr.rel $0x88, $3  }
0x1: {  	(tag) =	ssettag $0x0;
	lr =	simm.s32 $0x1  }
0x2: {  	[smem:$0x3F9B] =	sst lr;
	_ =	strace $0xD0000000  }
0x3: {  	_ = 	snop  }
0x4: {  	_ = 	snop  }
0x5: {  	_ = 	snop  }
0x6: {  	_ = 	snop  }
0x7: {  	_ = 	snop  }
__scs_overlays_trampoline_lowered:
0x8: {  	[smem:$0x3FAA] =	sst s0  }
0x9: {  	[smem:$0x3FAB] =	sst s1  }
0xa: {  	[smem:$0x3FAC] =	sst s2  }
0xb: {  	[smem:$0x3FAD] =	sst s3  }
0xc: {  	[smem:$0x3FAE] =	sst s4  }
0xd: {  	[smem:$0x3FAF] =	sst s5  }
0xe: {  	[smem:$0x3FB0] =	sst s6  }
0xf: {  	[smem:$0x3FB1] =	sst s7  }
0x10: {  	[smem:$0x3FB2] =	sst s8  }
0x11: {  	[smem:$0x3FB3] =	sst s9;
	s0 =	simm.s32 @!p0 $0x0  }
0x12: {  	s1 =	sld [smem:$0x3F99];
	s0 =	simm.s32 @p0 $0x1  }
0x13: {  	[smem:$0x3FB4] =	sst s0;
	s0 =	simm.s32 @!p1 $0x0  }
0x14: {  	s2 =	sld [smem:$0x3F98];
	s0 =	simm.s32 @p1 $0x1  }
0x15: {  	[smem:$0x3FB5] =	sst s0;
	s0 =	simm.s32 @!p2 $0x0  }
0x16: {  	s3 =	sld [smem:$0x3FDB];
	s0 =	simm.s32 @p2 $0x1  }
0x17: {  	s4 =	simm.s32 $0x1BF5;
	[smem:$0x3FB7] =	sst s0  }
0x18: {  	s0 =	sld [smem:$0x3F9A];
	_ =	swait.ge [sflag:s4], $0x0  }
0x19: {  	s7 =	sld [smem:$0x3F9B]  }
0x1a: {  	s8 =	sadd.s32 $0xFFFFE003, lr  }
0x1b: {  	s9 =	sadd.s32 $0xFFFFFEF7, lr;
	s5 =	simm.s32 $0xFFFFFFFF;
	p2 =	slt.u32 s8, $0xFFFFF086  }
0x1c: {  	p1 =	slt.u32 s9, $0xF7A;
	s5 =	simm.s32 @!p2 $0x0  }
0x1d: {  	s5 =	simm.s32 @p1 $0x1;
	p0 =	seq.s32 s7, s2  }
0x1e: {  	s7 =	smul.u32 @!p0 $0xF7A, s2;
	p2 =	seq.s32 @!p0 s5, $0x0  }
0x1f: {  	s9 =	smul.u32 $0xF7A, s1;
	s8 =	simm.s32 @!p0 $0x1BF5;
	p2 =	por !p2, p0  }
0x20: {  	[sflag:s8] =	ssyncset.s32 @!p0 $0xFFFFF086;
	s6 =	sadd.s32 @!p0 s3, s7;
	s7 =	simm.s32 @!p0 $0x108  }
0x21: {  	s3 =	sadd.s32 s3, s9;
	s6 =	sadd.s32 @!p0 $0x88, s6;
	s7 =	simm.s32 @p2 $0x1082  }
0x22: {  	[simem:s7], [sflag:s8] =	dma.local @!p0 [hbm:s6], $0xF7A  }
0x23: {  	s9 =	sor.u32 $0xD0000000, s2;
	s6 =	simm.s32 $0x108;
	_ =	swait.ge @!p0 [sflag:s8], $0x0  }
0x24: {  	s3 =	sadd.s32 $0x88, s3;
	s6 =	simm.s32 @!p1 $0x1082;
	[sflag:s4] =	ssyncset.s32 $0xFFFFF086  }
0x25: {  	[simem:s6], [sflag:s4] =	dma.local [hbm:s3], $0xF7A  }
0x26: {  	[smem:$0x3F9B] =	sst s1;
	(tag) =	ssettag s2;
	_ =	strace s9  }
0x27: {  	s1 =	sld [smem:$0x3FAB]  }
0x28: {  	s2 =	sld [smem:$0x3FAC]  }
0x29: {  	s4 =	sld [smem:$0x3FAE]  }
0x2a: {  	p0 =	seq.s32 s5, $0x0;
	s5 =	sld [smem:$0x3FAF]  }
0x2b: {  	s6 =	sld [smem:$0x3FB0]  }
0x2c: {  	s7 =	sld [smem:$0x3FB1]  }
0x2d: {  	s3 =	simm.s32 $0x108;
	s8 =	sld [smem:$0x3FB2]  }
0x2e: {  	s3 =	simm.s32 @!p0 $0x1082;
	s9 =	sld [smem:$0x3FB3]  }
0x2f: {  	lr =	sadd.s32 s0, s3;
	s0 =	sld [smem:$0x3FAA]  }
0x30: {  	s3 =	sld [smem:$0x3FAD]  }
0x31: {  	[smem:$0x3FB6] =	sst s10  }
0x32: {  	s10 =	sld [smem:$0x3FB4];
	_ =	sdelay $0x3  }
0x33: {  	p0 =	seq.s32 s10, $0x1;
	s10 =	sld [smem:$0x3FB6];
	_ =	sdelay $0x3  }
0x34: {  	[smem:$0x3FB6] =	sst s10  }
0x35: {  	s10 =	sld [smem:$0x3FB5];
	_ =	sdelay $0x3  }
0x36: {  	p1 =	seq.s32 s10, $0x1;
	s10 =	sld [smem:$0x3FB6];
	_ =	sdelay $0x3  }
0x37: {  	[smem:$0x3FB6] =	sst s10  }
0x38: {  	s10 =	sld [smem:$0x3FB7]  }
0x39: {  	_ = 	snop;
	(pc) =	sbr.ind lr, $3  }
0x3a: {  	_ = 	snop  }
0x3b: {  	_ = 	snop  }
0x3c: {  	p2 =	seq.s32 s10, $0x1;
	s10 =	sld [smem:$0x3FB6]  }
0x3d: {  	_ =	shalt  }
0x3e: {  	_ =	shalt  }
0x3f: {  	_ =	shalt  }
0x40: {  	_ =	shalt  }
0x41: {  	_ =	shalt  }
0x42: {  	_ =	shalt  }
0x43: {  	_ =	shalt  }
0x44: {  	_ =	shalt  }
0x45: {  	_ =	shalt  }
0x46: {  	_ =	shalt  }
0x47: {  	_ =	shalt  }
0x48: {  	_ =	shalt  }
0x49: {  	_ =	shalt  }
0x4a: {  	_ =	shalt  }
0x4b: {  	_ =	shalt  }
0x4c: {  	_ =	shalt  }
0x4d: {  	_ =	shalt  }
0x4e: {  	_ =	shalt  }
0x4f: {  	_ =	shalt  }
0x50: {  	_ =	shalt  }
0x51: {  	_ =	shalt  }
0x52: {  	_ =	shalt  }
0x53: {  	_ =	shalt  }
0x54: {  	_ =	shalt  }
0x55: {  	_ =	shalt  }
0x56: {  	_ =	shalt  }
0x57: {  	_ =	shalt  }
0x58: {  	_ =	shalt  }
0x59: {  	_ =	shalt  }
0x5a: {  	_ =	shalt  }
0x5b: {  	_ =	shalt  }
0x5c: {  	_ =	shalt  }
0x5d: {  	_ =	shalt  }
0x5e: {  	_ =	shalt  }
0x5f: {  	_ =	shalt  }
0x60: {  	_ =	shalt  }
0x61: {  	_ =	shalt  }
0x62: {  	_ =	shalt  }
0x63: {  	_ =	shalt  }
0x64: {  	_ =	shalt  }
0x65: {  	_ =	shalt  }
0x66: {  	_ =	shalt  }
0x67: {  	_ =	shalt  }
0x68: {  	_ =	shalt  }
0x69: {  	_ =	shalt  }
0x6a: {  	_ =	shalt  }
0x6b: {  	_ =	shalt  }
0x6c: {  	_ =	shalt  }
0x6d: {  	_ =	shalt  }
0x6e: {  	_ =	shalt  }
0x6f: {  	_ =	shalt  }
0x70: {  	_ =	shalt  }
0x71: {  	_ =	shalt  }
0x72: {  	_ =	shalt  }
0x73: {  	_ =	shalt  }
0x74: {  	_ =	shalt  }
0x75: {  	_ =	shalt  }
0x76: {  	_ =	shalt  }
0x77: {  	_ =	shalt  }
0x78: {  	_ =	shalt  }
0x79: {  	_ =	shalt  }
0x7a: {  	_ =	shalt  }
0x7b: {  	_ =	shalt  }
0x7c: {  	_ =	shalt  }
0x7d: {  	_ =	shalt  }
0x7e: {  	_ =	shalt  }
0x7f: {  	_ =	shalt  }
0x80: {  	_ =	shalt  }
0x81: {  	_ =	shalt  }
0x82: {  	_ =	shalt  }
0x83: {  	_ =	shalt  }
0x84: {  	_ =	shalt  }
0x85: {  	_ =	shalt  }
0x86: {  	_ =	shalt  }
0x87: {  	_ =	shalt  }
.Lfunc_end0:
.L_simem_size_0:
called_computation.1_lowered:
.L_overlay_start_0:
0x88: {  	s2 =	sld [smem:$0x3FD9]  }
0x89: {  	s3 =	sld [smem:$0x3FFE];
	_ =	sdelay $0x1  }
0x8a: {  	s1 =	srdreg.scid  }
0x8b: {  	s0 =	sand.u32 $0x1, s1  }
0x8c: {  	s17 =	sshll.u32 s0, $0xA;
	s2 =	sadd.s32 s3, s2  }
0x8d: {  	s2 =	sadd.s32 s2, s17  }
0x8e: {  	[smem:$0x3FC2] =	sst s2  }
0x8f: {  	_ = 	snop  }
0x90: {  	s2 =	sld [smem:$0x3FC8]  }
0x91: {  	s18 =	sld [smem:$0x3FD0];
	(tm) =	ssettm $0x1  }
0x92: {  	s4 =	sld [smem:$0x3FFB];
	_ =	sdelay $0x3  }
0x93: {  	_ =	strace s4  }
0x94: {  	s4 =	sld [smem:$0x3FFC];
	_ =	sdelay $0x3  }
0x95: {  	_ =	strace s4  }
0x96: {  	s4 =	sld [smem:$0x3FFD];
	_ =	sdelay $0x3  }
0x97: {  	_ =	strace s4  }
0x98: {  	_ =	strace $0x8FFFFFFF  }
0x99: {  	s19 =	sld [smem:$0x3FDB];
	_ =	sdelay $0x1  }
0x9a: {  	s5 =	simm.s32 $_scs_section_size  }
0x9b: {  	s6 =	simm.s32 $_size__tile_overlayer_lowered;
	s7 =	simm.s32 $_tile_overlayer_lowered  }
0x9c: {  	s22 =	simm.s32 $0x1BFF;
	s21 =	sshll.u32 s7, $0x1;
	s4 =	sadd.s32 s5, s19  }
0x9d: {  	s8 =	simm.s32 $0x0;
	s20 =	sshll.u32 s6, $0x1;
	s6 =	sadd.s32 s21, s4  }
0x9e: {  	[timem:s8], [sflag:s22] =	dma.local [hbm:s6], s20  }
0x9f: {  	_ =	swait.ge [sflag:s22], s20  }
0xa0: {  	s5 =	ssub.s32 $0x0, s20;
	[sflag:s22] =	ssyncset.done $0x0  }
0xa1: {  	[sflag:s22] =	ssyncadd.s32 s5;
	_ =	sdelay $0x1  }
0xa2: {  	s23 =	simm.s32 $0x1B8B  }
0xa3: {  	_ =	swait.ge [sflag:s23], $0x1  }
0xa4: {  	[sflag:s23] =	ssyncset.done $0x0  }
0xa5: {  	s25 =	simm.s32 $0x1B8E;
	s24 =	sld [smem:$0x3FFE];
	[sflag:s23] =	ssyncadd.s32 $0xFFFFFFFF  }
0xa6: {  	s26 =	simm.s32 $execute0_lowered;
	[smem:$0x3FD2] =	sst s25  }
0xa7: {  	s6 =	sshll.u32 s26, $0x1;
	_ =	strace $0x80000049;
	[dreg:$0x1] =	wrdreg $0xFFFFFFFF  }
0xa8: {  	s28 =	simm.s32 $_size_execute0_lowered;
	s4 =	sadd.s32 s4, s6;
	[dreg:$0x0] =	wrdreg $0x0  }
0xa9: {  	s6 =	sshll.u32 s28, $0x1;
	[dreg:$0x2] =	wrdreg s4  }
0xaa: {  	[dreg:$0x3] =	wrdreg s6  }
0xab: {  	[dreg:$0x4] =	wrdreg $0xC0  }
0xac: {  	_ =	task [dreg:s8], $0x5FFFF  }
0xad: {  	[dreg:$0x1] =	wrdreg $0xFFFFFFFF  }
0xae: {  	[dreg:$0x0] =	wrdreg $0x60  }
0xaf: {  	[dreg:$0x2] =	wrdreg s24  }
0xb0: {  	[dreg:$0x3] =	wrdreg s2  }
0xb1: {  	[dreg:$0x4] =	wrdreg s18  }
0xb2: {  	[dreg:$0x5] =	wrdreg $0x183800  }
0xb3: {  	[dreg:$0x6] =	wrdreg $0x9  }
0xb4: {  	_ =	task.clear_ibuf [dreg:s8], $0x7FFFF;
	_ =	strace $0x90000049  }
0xb5: {  	s29 =	simm.s32 $0x9;
	_ =	strace $0x8000004B  }
0xb6: {  	_ =	swait.ge [sflag:s29], $0x1  }
0xb7: {  	[sflag:s29] =	ssyncadd.s32 $0xFFFFFFFF  }
0xb8: {  	_ =	strace $0x9000004B  }
0xb9: {  	_ =	sfence  }
0xba: {  	s30 =	sld [smem:$0x0];
	_ =	sdelay $0x2  }
0xbb: {  	s31 =	sshll.u32 s1, $0xD;
	s1 =	sshrl.u32 s1, $0x2  }
0xbc: {  	s3 =	sand.u32 $0x4000, s31;
	s1 =	sadd.s32 s1, s30  }
0xbd: {  	s0 =	sor.u32 s3, s0;
	s1 =	sshll.u32 s1, $0x11  }
0xbe: {  	s0 =	sor.u32 s1, s0  }
0xbf: {  	s0 =	sadd.s32 $0x8F2B, s0  }
0xc0: {  	[sflag:s0] =	ssyncadd.remote.s32 $0x1  }
0xc1: {  	_ =	sfence.sel $0xFFFF  }
0xc2: {  	[dreg:$0x0] =	wrdreg $0xFFFFFFFF;
	(pc) =	sbr.abs _section_cstart, $3  }
0xc3: {  	[dreg:$0x1] =	wrdreg $0xFFFFFFFF  }
0xc4: {  	_ =	task.clear_ibuf [dreg:s8], $0x2FFFF;
	_ =	strace $0x9FFFFFFF  }
0xc5: {  	(tm) =	ssettm $0x7FFFFFFF  }
tec
execute0_lowered:
.L_overlay_start_1:
0x0: {  	(tag) =	ssettag $0x1  }
0x1: {  	s0 =	rddreg [dreg:$0x0]  }
0x2: {  	s2 =	rddreg [dreg:$0x1]  }
0x3: {  	s3 =	rddreg [dreg:$0x2]  }
0x4: {  	s4 =	rddreg [dreg:$0x3];
	s12 =	stileid.u32;
	s5 =	simm.s32 $0x0  }
0x5: {  	s6 =	srdreg.scid;
	s28 =	simm.s32 $0x4E20;
	s29 =	simm.s32 $0x1  }
0x6: {  	s30 =	simm.s32 $0x8CA0;
	s31 =	simm.s32 $0x9C40;
	s14 =	simm.s32 $0x0  }
0x7: {  	s1 =	smul.u32 $0x6400, s12;
	[smem:$0x7FF] =	sst s5;
	s8 =	sand.u32 $0x1, s6  }
0x8: {  	s18 =	sshll.u32 s12, $0x1;
	s6 =	sadd.s32 $0xC00, s0;
	s20 =	sadd.s32 $0x7A780, s0  }
0x9: {  	s22 =	sadd.s32 $0x5DC00, s4;
	p0 =	seq.s32 s12, $0xF;
	_ =	strace $0x8000004A  }
0xa: {  	s10 =	ssub.s32 $0x2, s8;
	s8 =	sor.u32 s8, s18;
	[dreg:$0x8] =	wrdreg s20  }
0xb: {  	[dreg:$0xa] =	wrdreg s22;
	s22 =	simm.s32 $0xBB80;
	s7 =	sshrl.u32 s1, $0x3  }
0xc: {  	s11 =	sshrl.u32 s10, $0x1;
	s8 =	smul.u32 $0xC350, s8;
	s1 =	sadd.s32 s1, s4  }
0xd: {  	s9 =	sadd.s32 s7, s0;
	s7 =	sadd.s32 $0x31A00, s0;
	s10 =	ssub.s32 s10, s11  }
0xe: {  	[dreg:$0x7] =	wrdreg s1;
	s0 =	sadd.s32 $0x86AD0, s0;
	s1 =	simm.s32 $0x2  }
0xf: {  	s11 =	simm.s32 $0xB3B0;
	s19 =	sadd.s32 $0x6EC00, s9;
	[dreg:$0x9] =	wrdreg s0  }
0x10: {  	s9 =	sadd.s32 $0x7AF50, s9;
	s21 =	sshrl.u32 s8, $0x3;
	[dreg:$0x5] =	wrdreg s19  }
0x11: {  	s16 =	sadd.s32 $0x7D0, s8;
	s26 =	smax.u32 s10, $0x1;
	[dreg:$0x6] =	wrdreg s9  }
0x12: {  	s23 =	sadd.s32 s2, s21;
	s0 =	sadd.s32 $0x1770, s21;
	[dreg:$0xf] =	wrdreg s26  }
0x13: {  	s17 =	sadd.s32 $0xFA0, s8;
	[dreg:$0xb] =	wrdreg s23;
	s24 =	sadd.s32 s3, s0  }
0x14: {  	v2 =	vlaneseq.u32;
	s10 =	simm.s32 $0xA410;
	s25 =	sadd.s32 s6, s0;
	[dreg:$0xc] =	wrdreg s24  }
0x15: {  	v0 =	vshrl.u32 v2, $0x3;
	s26 =	simm.s32 $0xFA0;
	s0 =	sadd.s32 s7, s0;
	[dreg:$0xd] =	wrdreg s25  }
0x16: {  	v0 =	vmul.u32 $0x8, v0;
	s9 =	simm.s32 $0x9470;
	s23 =	simm.s32 $0x5;
	[dreg:$0xe] =	wrdreg s0  }
0x17: {  	v1 =	vand.u32 $0x7, v2;
	v2 =	vmul.u32 $0x8, v2;
	s24 =	simm.s32 $0x11F80;
	s25 =	simm.s32 $0x7D0;
	s0 =	simm.s32 $0xABE0  }
.LBB2_1:
.Ltmp0:
0x18: {  	(pc) =	sbr.rel @!p0 .LBB2_2-.Ltmp0, $2  }
0x19: {  	_ =	sdelay $0x2  }
0x1a: {  	[dreg:$0x10] =	wrdreg s14;
	s12 =	simm.s32 $0x0  }
0x1b: {  	s13 =	rddreg [dreg:$0x8]  }
0x1c: {  	v3 =	vmov s12;
	[tilespmem:s22], [sflag:$0x5] =	stream.linear.gather [hbm4b:s13+s12], $0x3E80, $0x38;
	[tilespmem:$0x1E528] =	vst v63  }
0x1d: {  	v3 =	vshll.u32 v3, $0x3;
	_ =	swait.ge [sflag:s23], $0x3E80  }
0x1e: {  	v3 =	vor.u32 v0, v3;
	[sflag:s23] =	ssyncset.done $0x0  }
0x1f: {  	v4 =	vor.u32 $0x3, v3;
	s20 =	rddreg [dreg:$0x9];
	[sflag:s23] =	ssyncadd.s32 $0xFFFFC180  }
0x20: {  	[tilespmem:s24], [sflag:$0x5] =	stream.linear.gather [hbm4b:s20+s12], $0x3E80, $0x38;
	[tilespmem:$0x1E528] =	vst v63  }
0x21: {  	_ =	swait.ge [sflag:s23], $0x3E80  }
0x22: {  	[sflag:s23] =	ssyncset.done $0x0  }
0x23: {  	[sflag:s23] =	ssyncadd.s32 $0xFFFFC180  }
0x24: {  	v5 =	vld.idx.msk [tilespmem:v4+s22+$0x0], $0xffff  }
0x25: {  	v4 =	vld.idx.msk [tilespmem:v4+s24+$0x0], $0xffff;
	_ =	sdelay $0x4  }
0x26: {  	v3 =	vor.u32 v1, v3;
	v4 =	vadd.f32 v4, v5;
	_ =	sdelay $0x1  }
0x27: {  	v5 =	vmax.f32 v4, $1.000000000e+00  }
0x28: {  	(erf) = vrcp.f32 v5;
	_ =	sdelay $0x1  }
0x29: {  	v4 =	vld.idx.msk [tilespmem:v3+s24+$0x0], $0xffff  }
0x2a: {  	v5 =	vld.idx.msk [tilespmem:v3+s22+$0x0], $0xffff  }
0x2b: {  	s21 =	simm.s32 $0x2  }
0x2c: {  	v6 =	vmov s21  }
0x2d: {  	s13 =	simm.s32 $0x4;
	v6 =	vshll.u32 v6, $0x3  }
.LBB2_6:
0x2e: {  	p1 =	sne.s32 s13, $0x7CE;
	v6 =	vor.u32 v0, v6  }
0x2f: {  	v4 =	vadd.f32 v4, v5;
	v7 =	vor.u32 $0x3, v6  }
0x30: {  	v5 =	vpop (erf)  }
0x31: {  	v4 =	vmul.f32 v5, v4;
	_ =	sdelay $0x1  }
0x32: {  	[tilespmem:v3+s22+$0x0] =	vst.idx.msk $0xffff, v4  }
0x33: {  	v4 =	vld.idx.msk [tilespmem:v7+s22+$0x0], $0xffff  }
0x34: {  	v5 =	vld.idx.msk [tilespmem:v7+s24+$0x0], $0xffff;
	_ =	sdelay $0x4  }
0x35: {  	v3 =	vor.u32 v1, v6  }
0x36: {  	v4 =	vadd.f32 v5, v4;
	_ =	sdelay $0x1  }
0x37: {  	v4 =	vmax.f32 v4, $1.000000000e+00  }
0x38: {  	(erf) = vrcp.f32 v4  }
0x39: {  	v4 =	vld.idx.msk [tilespmem:v3+s24+$0x0], $0xffff  }
.Ltmp1:
0x3a: {  	v5 =	vld.idx.msk [tilespmem:v3+s22+$0x0], $0xffff;
	(pc) =	sbr.rel @p1 .LBB2_6-.Ltmp1, $3  }
0x3b: {  	_ =	sdelay $0x1  }
0x3c: {  	v6 =	vmov s13  }
0x3d: {  	s13 =	sadd.s32 $0x2, s13;
	v6 =	vshll.u32 v6, $0x3  }
0x3e: {  	v6 =	vor.u32 v0, v6  }
0x3f: {  	v4 =	vadd.f32 v4, v5;
	v7 =	vor.u32 $0x3, v6  }
0x40: {  	v60 =	vpop (erf)  }
0x41: {  	v4 =	vmul.f32 v60, v4;
	_ =	sdelay $0x1  }
0x42: {  	[tilespmem:v3+s22+$0x0] =	vst.idx.msk $0xffff, v4  }
0x43: {  	v3 =	vld.idx.msk [tilespmem:v7+s22+$0x0], $0xffff  }
0x44: {  	v4 =	vld.idx.msk [tilespmem:v7+s24+$0x0], $0xffff;
	_ =	sdelay $0x4  }
0x45: {  	v61 =	vor.u32 v1, v6;
	v3 =	vadd.f32 v4, v3;
	_ =	sdelay $0x1  }
0x46: {  	v3 =	vmax.f32 v3, $1.000000000e+00  }
0x47: {  	(erf) = vrcp.f32 v3;
	_ =	sdelay $0x1  }
0x48: {  	v62 =	vld.idx.msk [tilespmem:v61+s22+$0x0], $0xffff  }
0x49: {  	v3 =	vld.idx.msk [tilespmem:v61+s24+$0x0], $0xffff;
	_ =	sdelay $0x4  }
0x4a: {  	v3 =	vadd.f32 v3, v62  }
0x4b: {  	v63 =	vpop (erf)  }
0x4c: {  	v3 =	vmul.f32 v63, v3;
	_ =	sdelay $0x1  }
.Ltmp2:
0x4d: {  	s12 =	rddreg [dreg:$0xa];
	[tilespmem:v61+s22+$0x0] =	vst.idx.msk $0xffff, v3;
	(pc) =	sbr.rel .LBB2_8-.Ltmp2, $4  }
0x4e: {  	[spmem:s12] =	stream.linear.scatter [tilespmem:s22], [sflag:$0x5], $0x3E80, $0x38;
	[tilespmem:$0x1E528] =	vst v63  }
0x4f: {  	_ =	swait.ge [sflag:s23], $0x3E80  }
0x50: {  	[sflag:s23] =	ssyncset.done $0x0  }
0x51: {  	[sflag:s23] =	ssyncadd.s32 $0xFFFFC180  }
.LBB2_2:
0x52: {  	s13 =	rddreg [dreg:$0x5]  }
0x53: {  	v3 =	vmov s12;
	[tilespmem:s22], [sflag:$0x5] =	stream.linear.gather [hbm4b:s13+s12], $0x6400, $0x38;
	[tilespmem:$0x1E528] =	vst v63  }
0x54: {  	v3 =	vshll.u32 v3, $0x3;
	_ =	swait.ge [sflag:s23], $0x6400  }
0x55: {  	v3 =	vor.u32 v0, v3;
	[sflag:s23] =	ssyncset.done $0x0  }
0x56: {  	v4 =	vor.u32 $0x3, v3;
	s20 =	rddreg [dreg:$0x6];
	[sflag:s23] =	ssyncadd.s32 $0xFFFF9C00  }
0x57: {  	[tilespmem:s24], [sflag:$0x5] =	stream.linear.gather [hbm4b:s20+s12], $0x6400, $0x38;
	[tilespmem:$0x1E528] =	vst v63  }
0x58: {  	_ =	swait.ge [sflag:s23], $0x6400  }
0x59: {  	[sflag:s23] =	ssyncset.done $0x0  }
0x5a: {  	[sflag:s23] =	ssyncadd.s32 $0xFFFF9C00  }
0x5b: {  	v5 =	vld.idx.msk [tilespmem:v4+s22+$0x0], $0xffff  }
0x5c: {  	v4 =	vld.idx.msk [tilespmem:v4+s24+$0x0], $0xffff;
	_ =	sdelay $0x4  }
0x5d: {  	v3 =	vor.u32 v1, v3;
	v4 =	vadd.f32 v4, v5;
	_ =	sdelay $0x1  }
0x5e: {  	v5 =	vmax.f32 v4, $1.000000000e+00  }
0x5f: {  	(erf) = vrcp.f32 v5;
	_ =	sdelay $0x1  }
0x60: {  	v4 =	vld.idx.msk [tilespmem:v3+s24+$0x0], $0xffff  }
0x61: {  	v5 =	vld.idx.msk [tilespmem:v3+s22+$0x0], $0xffff  }
0x62: {  	s21 =	simm.s32 $0x2  }
0x63: {  	v6 =	vmov s21  }
0x64: {  	s13 =	simm.s32 $0x4;
	v6 =	vshll.u32 v6, $0x3  }
.LBB2_3:
0x65: {  	p1 =	sne.s32 s13, $0xC7E;
	v6 =	vor.u32 v0, v6  }
0x66: {  	v4 =	vadd.f32 v4, v5;
	v7 =	vor.u32 $0x3, v6  }
0x67: {  	v5 =	vpop (erf)  }
0x68: {  	v4 =	vmul.f32 v5, v4;
	_ =	sdelay $0x1  }
0x69: {  	[tilespmem:v3+s22+$0x0] =	vst.idx.msk $0xffff, v4  }
0x6a: {  	v4 =	vld.idx.msk [tilespmem:v7+s22+$0x0], $0xffff  }
0x6b: {  	v5 =	vld.idx.msk [tilespmem:v7+s24+$0x0], $0xffff;
	_ =	sdelay $0x4  }
0x6c: {  	v3 =	vor.u32 v1, v6  }
0x6d: {  	v4 =	vadd.f32 v5, v4;
	_ =	sdelay $0x1  }
0x6e: {  	v4 =	vmax.f32 v4, $1.000000000e+00  }
0x6f: {  	(erf) = vrcp.f32 v4  }
0x70: {  	v4 =	vld.idx.msk [tilespmem:v3+s24+$0x0], $0xffff  }
.Ltmp3:
0x71: {  	v5 =	vld.idx.msk [tilespmem:v3+s22+$0x0], $0xffff;
	(pc) =	sbr.rel @p1 .LBB2_3-.Ltmp3, $3  }
0x72: {  	_ =	sdelay $0x1  }
0x73: {  	v6 =	vmov s13  }
0x74: {  	s13 =	sadd.s32 $0x2, s13;
	v6 =	vshll.u32 v6, $0x3  }
0x75: {  	v6 =	vor.u32 v0, v6  }
0x76: {  	v4 =	vadd.f32 v4, v5;
	v7 =	vor.u32 $0x3, v6  }
0x77: {  	v60 =	vpop (erf)  }
0x78: {  	v4 =	vmul.f32 v60, v4;
	_ =	sdelay $0x1  }
0x79: {  	[tilespmem:v3+s22+$0x0] =	vst.idx.msk $0xffff, v4  }
0x7a: {  	v3 =	vld.idx.msk [tilespmem:v7+s22+$0x0], $0xffff  }
0x7b: {  	v4 =	vld.idx.msk [tilespmem:v7+s24+$0x0], $0xffff;
	_ =	sdelay $0x4  }
0x7c: {  	v61 =	vor.u32 v1, v6;
	v3 =	vadd.f32 v4, v3;
	_ =	sdelay $0x1  }
0x7d: {  	v3 =	vmax.f32 v3, $1.000000000e+00  }
0x7e: {  	(erf) = vrcp.f32 v3;
	_ =	sdelay $0x1  }
0x7f: {  	v62 =	vld.idx.msk [tilespmem:v61+s22+$0x0], $0xffff  }
0x80: {  	v3 =	vld.idx.msk [tilespmem:v61+s24+$0x0], $0xffff;
	_ =	sdelay $0x4  }
0x81: {  	v3 =	vadd.f32 v3, v62  }
0x82: {  	v63 =	vpop (erf)  }
0x83: {  	v3 =	vmul.f32 v63, v3;
	_ =	sdelay $0x1  }
0x84: {  	s12 =	rddreg [dreg:$0x7];
	[tilespmem:v61+s22+$0x0] =	vst.idx.msk $0xffff, v3  }
0x85: {  	[spmem:s12] =	stream.linear.scatter [tilespmem:s22], [sflag:$0x5], $0x6400, $0x38;
	[tilespmem:$0x1E528] =	vst v63  }
0x86: {  	_ =	swait.ge [sflag:s23], $0x6400  }
0x87: {  	[sflag:s23] =	ssyncset.done $0x0  }
0x88: {  	[sflag:s23] =	ssyncadd.s32 $0xFFFF9C00  }
.LBB2_8:
0x89: {  	[bflag:$0x0] =	sbarrier.arrive $0xFFFF  }
0x8a: {  	s15 =	simm.s32 $0x0;
	s12 =	rddreg [dreg:$0xb]  }
0x8b: {  	[tilespmem:s15], [sflag:$0x5] =	stream.linear.gather [hbm4b:s12+s15], $0x7D0, $0x38;
	[tilespmem:$0x1E528] =	vst v63  }
0x8c: {  	_ =	swait.ge [sflag:s23], $0x7D0  }
0x8d: {  	[sflag:s23] =	ssyncset.done $0x0  }
0x8e: {  	s18 =	simm.s32 $0x0;
	[sflag:s23] =	ssyncadd.s32 $0xFFFFF830  }
0x8f: {  	[tilespmem:s26], [sflag:$0x1] =	stream.indirect.gather [spmem:s4], $0x8, s15, s25, $0xb8;
	[tilespmem:$0x1E528] =	vst v63  }
.LBB2_9:
0x90: {  	s20 =	smul.u32 $0xFA0, s18;
	_ =	sdelay $0x1  }
0x91: {  	s12 =	sadd.s32 s20, s16  }
0x92: {  	s19 =	sshrl.u32 s12, $0x3  }
0x93: {  	s12 =	sadd.s32 s2, s19  }
0x94: {  	[tilespmem:s25], [sflag:$0x5] =	stream.linear.gather [hbm4b:s12+s5], $0x7D0, $0x38;
	[tilespmem:$0x1E528] =	vst v63  }
0x95: {  	_ =	swait.ge [sflag:s23], $0x7D0  }
0x96: {  	[sflag:s23] =	ssyncset.done $0x0  }
0x97: {  	[sflag:s23] =	ssyncadd.s32 $0xFFFFF830  }
0x98: {  	[tilespmem:s28], [sflag:$0x2] =	stream.indirect.gather [spmem:s4], $0x8, s25, s25, $0xb8;
	[tilespmem:$0x1E528] =	vst v63  }
0x99: {  	_ =	swait.ge [sflag:s29], $0x3E80  }
0x9a: {  	p1 =	seq.s32 s18, $0x0;
	[sflag:s29] =	ssyncset.done $0x0  }
0x9b: {  	s12 =	simm.s32 @!p1 $0x3;
	[sflag:s29] =	ssyncadd.s32 $0xFFFFC180  }
0x9c: {  	_ =	swait.ge @!p1 [sflag:s12], $0x7D0  }
0x9d: {  	[sflag:s12] =	ssyncset.done @!p1 $0x0  }
0x9e: {  	v3 =	vmov s15;
	[sflag:s12] =	ssyncadd.s32 @!p1 $0xFFFFF830  }
0x9f: {  	v3 =	vshll.u32 v3, $0x3;
	_ =	swait.ge @!p1 [sflag:s12], $0x7D0  }
0xa0: {  	v3 =	vor.u32 v2, v3;
	[sflag:s12] =	ssyncset.done @!p1 $0x0  }
0xa1: {  	[sflag:s12] =	ssyncadd.s32 @!p1 $0xFFFFF830  }
0xa2: {  	_ =	swait.ge @!p1 [sflag:s12], $0x7D0  }
0xa3: {  	[sflag:s12] =	ssyncset.done @!p1 $0x0  }
0xa4: {  	[sflag:s12] =	ssyncadd.s32 @!p1 $0xFFFFF830  }
0xa5: {  	v4 =	vld.idx.msk [tilespmem:v3+s26+$0x0], $0xffff  }
0xa6: {  	v5 =	vor.u32 $0x1, v3;
	_ =	sdelay $0x2  }
0xa7: {  	s14 =	simm.s32 $0x8CA0  }
0xa8: {  	[tilespmem:s14+$0x0] =	vst v4  }
0xa9: {  	v4 =	vld.idx.msk [tilespmem:v5+s26+$0x0], $0xffff  }
0xaa: {  	v3 =	vor.u32 $0x2, v3;
	_ =	sdelay $0x2  }
0xab: {  	s21 =	simm.s32 $0x9C40;
	s13 =	simm.s32 $0x10  }
0xac: {  	[tilespmem:s21+$0x0] =	vst v4;
	v4 =	vmov s13  }
0xad: {  	v3 =	vld.idx.msk [tilespmem:v3+s26+$0x0], $0xffff;
	v4 =	vshll.u32 v4, $0x3  }
0xae: {  	v4 =	vor.u32 v2, v4;
	_ =	sdelay $0x2  }
0xaf: {  	s21 =	simm.s32 $0xABE0  }
0xb0: {  	[tilespmem:s21+$0x0] =	vst v3  }
0xb1: {  	v3 =	vld.idx.msk [tilespmem:v4+s26+$0x0], $0xffff  }
0xb2: {  	v5 =	vor.u32 $0x1, v4;
	_ =	sdelay $0x2  }
0xb3: {  	s13 =	simm.s32 $0x8CB0  }
0xb4: {  	[tilespmem:s13+$0x0] =	vst v3  }
0xb5: {  	v3 =	vld.idx.msk [tilespmem:v5+s26+$0x0], $0xffff  }
0xb6: {  	v5 =	vor.u32 $0x2, v4;
	_ =	sdelay $0x2  }
0xb7: {  	s14 =	simm.s32 $0x9C50  }
0xb8: {  	s12 =	simm.s32 $0x20;
	[tilespmem:s14+$0x0] =	vst v3  }
0xb9: {  	v4 =	vmov s12;
	s12 =	simm.s32 $0x30;
	v3 =	vld.idx.msk [tilespmem:v5+s26+$0x0], $0xffff  }
.LBB2_10:
0xba: {  	p2 =	sne.s32 s12, $0x7C0;
	v4 =	vshll.u32 v4, $0x3  }
0xbb: {  	v4 =	vor.u32 v2, v4;
	_ =	sdelay $0x2  }
0xbc: {  	s21 =	sadd.s32 $0x10, s21  }
0xbd: {  	[tilespmem:s21+$0x0] =	vst v3  }
0xbe: {  	v3 =	vld.idx.msk [tilespmem:v4+s26+$0x0], $0xffff;
	_ =	sdelay $0x1  }
0xbf: {  	v5 =	vor.u32 $0x1, v4;
	_ =	sdelay $0x2  }
0xc0: {  	s13 =	sadd.s32 $0x10, s13  }
0xc1: {  	[tilespmem:s13+$0x0] =	vst v3  }
0xc2: {  	v3 =	vld.idx.msk [tilespmem:v5+s26+$0x0], $0xffff;
	_ =	sdelay $0x1  }
0xc3: {  	v5 =	vor.u32 $0x2, v4  }
.Ltmp4:
0xc4: {  	(pc) =	sbr.rel @p2 .LBB2_10-.Ltmp4, $4  }
0xc5: {  	_ = 	snop  }
0xc6: {  	s14 =	sadd.s32 $0x10, s14  }
0xc7: {  	[tilespmem:s14+$0x0] =	vst v3  }
0xc8: {  	v4 =	vmov s12;
	s12 =	sadd.s32 $0x10, s12;
	v3 =	vld.idx.msk [tilespmem:v5+s26+$0x0], $0xffff  }
0xc9: {  	v4 =	vshll.u32 v4, $0x3  }
0xca: {  	v4 =	vor.u32 v2, v4;
	_ =	sdelay $0x2  }
0xcb: {  	s12 =	sadd.s32 $0x10, s21  }
0xcc: {  	[tilespmem:s12+$0x0] =	vst v3  }
0xcd: {  	v3 =	vld.idx.msk [tilespmem:v4+s26+$0x0], $0xffff  }
0xce: {  	v5 =	vor.u32 $0x1, v4;
	_ =	sdelay $0x2  }
0xcf: {  	s13 =	sadd.s32 $0x10, s13  }
0xd0: {  	[tilespmem:s13+$0x0] =	vst v3  }
0xd1: {  	v3 =	vld.idx.msk [tilespmem:v5+s26+$0x0], $0xffff  }
0xd2: {  	v4 =	vor.u32 $0x2, v4;
	_ =	sdelay $0x2  }
0xd3: {  	s14 =	sadd.s32 $0x10, s14  }
0xd4: {  	[tilespmem:s14+$0x0] =	vst v3  }
0xd5: {  	v3 =	vld.idx.msk [tilespmem:v4+s26+$0x0], $0xffff;
	_ =	sdelay $0x2  }
0xd6: {  	s21 =	sadd.s32 s8, s20  }
0xd7: {  	s12 =	sadd.s32 $0x10, s12;
	s13 =	sshrl.u32 s21, $0x3  }
0xd8: {  	s14 =	sadd.s32 s3, s13;
	[tilespmem:s12+$0x0] =	vst v3  }
0xd9: {  	[hbm4b:s14+s5] =	stream.linear.scatter [tilespmem:s30], [sflag:$0x3], $0x7D0, $0x38;
	[tilespmem:$0x1E528] =	vst v63  }
0xda: {  	s20 =	sadd.s32 s20, s17;
	s21 =	sadd.s32 s6, s13  }
0xdb: {  	[hbm4b:s21+s5] =	stream.linear.scatter [tilespmem:s31], [sflag:$0x3], $0x7D0, $0x38;
	[tilespmem:$0x1E528] =	vst v63  }
0xdc: {  	s12 =	sshrl.u32 s20, $0x3;
	s14 =	sadd.s32 s7, s13  }
0xdd: {  	[hbm4b:s14+s5] =	stream.linear.scatter [tilespmem:s0], [sflag:$0x3], $0x7D0, $0x38;
	[tilespmem:$0x1E528] =	vst v63  }
0xde: {  	s12 =	sadd.s32 s2, s12  }
0xdf: {  	[tilespmem:s5], [sflag:$0x5] =	stream.linear.gather [hbm4b:s12+s5], $0x7D0, $0x38;
	[tilespmem:$0x1E528] =	vst v63  }
0xe0: {  	_ =	swait.ge [sflag:s23], $0x7D0  }
0xe1: {  	[sflag:s23] =	ssyncset.done $0x0  }
0xe2: {  	[sflag:s23] =	ssyncadd.s32 $0xFFFFF830  }
0xe3: {  	[tilespmem:s26], [sflag:$0x1] =	stream.indirect.gather [spmem:s4], $0x8, s5, s25, $0xb8;
	[tilespmem:$0x1E528] =	vst v63  }
0xe4: {  	_ =	swait.ge [sflag:s1], $0x3E80  }
0xe5: {  	[sflag:s1] =	ssyncset.done $0x0  }
0xe6: {  	s12 =	simm.s32 @!p1 $0x4;
	[sflag:s1] =	ssyncadd.s32 $0xFFFFC180  }
0xe7: {  	_ =	swait.ge @!p1 [sflag:s12], $0x7D0  }
0xe8: {  	s21 =	simm.s32 $0x0;
	[sflag:s12] =	ssyncset.done @!p1 $0x0  }
0xe9: {  	v3 =	vmov s21;
	[sflag:s12] =	ssyncadd.s32 @!p1 $0xFFFFF830  }
0xea: {  	v3 =	vshll.u32 v3, $0x3;
	_ =	swait.ge @!p1 [sflag:s12], $0x7D0  }
0xeb: {  	v3 =	vor.u32 v2, v3;
	[sflag:s12] =	ssyncset.done @!p1 $0x0  }
0xec: {  	[sflag:s12] =	ssyncadd.s32 @!p1 $0xFFFFF830  }
0xed: {  	_ =	swait.ge @!p1 [sflag:s12], $0x7D0  }
0xee: {  	[sflag:s12] =	ssyncset.done @!p1 $0x0  }
0xef: {  	[sflag:s12] =	ssyncadd.s32 @!p1 $0xFFFFF830  }
0xf0: {  	v4 =	vld.idx.msk [tilespmem:v3+s28+$0x0], $0xffff  }
0xf1: {  	v5 =	vor.u32 $0x1, v3;
	_ =	sdelay $0x2  }
0xf2: {  	s13 =	simm.s32 $0x9470  }
0xf3: {  	[tilespmem:s13+$0x0] =	vst v4  }
0xf4: {  	v4 =	vld.idx.msk [tilespmem:v5+s28+$0x0], $0xffff  }
0xf5: {  	v3 =	vor.u32 $0x2, v3;
	_ =	sdelay $0x2  }
0xf6: {  	s20 =	simm.s32 $0x10;
	s14 =	simm.s32 $0xA410  }
0xf7: {  	[tilespmem:s14+$0x0] =	vst v4;
	v4 =	vmov s20  }
0xf8: {  	v3 =	vld.idx.msk [tilespmem:v3+s28+$0x0], $0xffff;
	v4 =	vshll.u32 v4, $0x3  }
0xf9: {  	v4 =	vor.u32 v2, v4;
	_ =	sdelay $0x2  }
0xfa: {  	s13 =	simm.s32 $0xB3B0  }
0xfb: {  	[tilespmem:s13+$0x0] =	vst v3  }
0xfc: {  	v3 =	vld.idx.msk [tilespmem:v4+s28+$0x0], $0xffff  }
0xfd: {  	v5 =	vor.u32 $0x1, v4;
	_ =	sdelay $0x2  }
0xfe: {  	s14 =	simm.s32 $0x9480  }
0xff: {  	[tilespmem:s14+$0x0] =	vst v3  }
0x100: {  	v3 =	vld.idx.msk [tilespmem:v5+s28+$0x0], $0xffff  }
0x101: {  	v5 =	vor.u32 $0x2, v4;
	_ =	sdelay $0x2  }
0x102: {  	s20 =	simm.s32 $0xA420  }
0x103: {  	s21 =	simm.s32 $0x20;
	[tilespmem:s20+$0x0] =	vst v3  }
0x104: {  	s12 =	simm.s32 $0x30;
	v4 =	vmov s21;
	v3 =	vld.idx.msk [tilespmem:v5+s28+$0x0], $0xffff  }
.LBB2_12:
0x105: {  	p1 =	sne.s32 s12, $0x7C0;
	v4 =	vshll.u32 v4, $0x3  }
0x106: {  	v4 =	vor.u32 v2, v4;
	_ =	sdelay $0x2  }
0x107: {  	s13 =	sadd.s32 $0x10, s13  }
0x108: {  	[tilespmem:s13+$0x0] =	vst v3  }
0x109: {  	v3 =	vld.idx.msk [tilespmem:v4+s28+$0x0], $0xffff;
	_ =	sdelay $0x1  }
0x10a: {  	v5 =	vor.u32 $0x1, v4;
	_ =	sdelay $0x2  }
0x10b: {  	s14 =	sadd.s32 $0x10, s14  }
0x10c: {  	[tilespmem:s14+$0x0] =	vst v3  }
0x10d: {  	v3 =	vld.idx.msk [tilespmem:v5+s28+$0x0], $0xffff;
	_ =	sdelay $0x1  }
0x10e: {  	v5 =	vor.u32 $0x2, v4  }
.Ltmp5:
0x10f: {  	(pc) =	sbr.rel @p1 .LBB2_12-.Ltmp5, $4  }
0x110: {  	_ = 	snop  }
0x111: {  	s20 =	sadd.s32 $0x10, s20  }
0x112: {  	[tilespmem:s20+$0x0] =	vst v3  }
0x113: {  	v4 =	vmov s12;
	s12 =	sadd.s32 $0x10, s12;
	v3 =	vld.idx.msk [tilespmem:v5+s28+$0x0], $0xffff  }
0x114: {  	v4 =	vshll.u32 v4, $0x3  }
0x115: {  	v4 =	vor.u32 v2, v4;
	_ =	sdelay $0x2  }
0x116: {  	s12 =	sadd.s32 $0x10, s13  }
0x117: {  	[tilespmem:s12+$0x0] =	vst v3  }
0x118: {  	v3 =	vld.idx.msk [tilespmem:v4+s28+$0x0], $0xffff  }
0x119: {  	v5 =	vor.u32 $0x1, v4;
	_ =	sdelay $0x2  }
0x11a: {  	s14 =	sadd.s32 $0x10, s14  }
0x11b: {  	[tilespmem:s14+$0x0] =	vst v3  }
0x11c: {  	v3 =	vld.idx.msk [tilespmem:v5+s28+$0x0], $0xffff  }
0x11d: {  	v4 =	vor.u32 $0x2, v4;
	_ =	sdelay $0x2  }
0x11e: {  	s21 =	sadd.s32 $0x10, s20  }
0x11f: {  	[tilespmem:s21+$0x0] =	vst v3  }
0x120: {  	v3 =	vld.idx.msk [tilespmem:v4+s28+$0x0], $0xffff;
	_ =	sdelay $0x3  }
0x121: {  	s18 =	sadd.s32 $0x1, s18;
	s12 =	sadd.s32 $0x10, s12  }
0x122: {  	p1 =	sne.s32 s18, $0xC;
	s14 =	sadd.s32 s3, s19;
	[tilespmem:s12+$0x0] =	vst v3  }
0x123: {  	[hbm4b:s14+s5] =	stream.linear.scatter [tilespmem:s9], [sflag:$0x4], $0x7D0, $0x38;
	[tilespmem:$0x1E528] =	vst v63  }
.Ltmp6:
0x124: {  	_ = 	snop;
	(pc) =	sbr.rel @p1 .LBB2_9-.Ltmp6, $4  }
0x125: {  	s20 =	sadd.s32 s6, s19  }
0x126: {  	[hbm4b:s20+s5] =	stream.linear.scatter [tilespmem:s10], [sflag:$0x4], $0x7D0, $0x38;
	[tilespmem:$0x1E528] =	vst v63  }
0x127: {  	s21 =	sadd.s32 s7, s19  }
0x128: {  	[hbm4b:s21+s5] =	stream.linear.scatter [tilespmem:s11], [sflag:$0x4], $0x7D0, $0x38;
	[tilespmem:$0x1E528] =	vst v63  }
0x129: {  	_ =	swait.ge [sflag:s29], $0x3E80  }
0x12a: {  	[sflag:s29] =	ssyncset.done $0x0  }
0x12b: {  	s18 =	simm.s32 $0x3;
	[sflag:s29] =	ssyncadd.s32 $0xFFFFC180  }
0x12c: {  	_ =	swait.ge [sflag:s18], $0x7D0  }
0x12d: {  	s12 =	simm.s32 $0x0;
	[sflag:s18] =	ssyncset.done $0x0  }
0x12e: {  	v3 =	vmov s12;
	[sflag:s18] =	ssyncadd.s32 $0xFFFFF830  }
0x12f: {  	v3 =	vshll.u32 v3, $0x3;
	_ =	swait.ge [sflag:s18], $0x7D0  }
0x130: {  	v3 =	vor.u32 v2, v3;
	[sflag:s18] =	ssyncset.done $0x0  }
0x131: {  	[sflag:s18] =	ssyncadd.s32 $0xFFFFF830  }
0x132: {  	_ =	swait.ge [sflag:s18], $0x7D0  }
0x133: {  	[sflag:s18] =	ssyncset.done $0x0  }
0x134: {  	[sflag:s18] =	ssyncadd.s32 $0xFFFFF830  }
0x135: {  	v4 =	vld.idx.msk [tilespmem:v3+s26+$0x0], $0xffff  }
0x136: {  	v5 =	vor.u32 $0x1, v3;
	_ =	sdelay $0x2  }
0x137: {  	s19 =	simm.s32 $0x8CA0  }
0x138: {  	[tilespmem:s19+$0x0] =	vst v4  }
0x139: {  	v4 =	vld.idx.msk [tilespmem:v5+s26+$0x0], $0xffff  }
0x13a: {  	v3 =	vor.u32 $0x2, v3;
	_ =	sdelay $0x2  }
0x13b: {  	s20 =	simm.s32 $0x9C40;
	s13 =	simm.s32 $0x10  }
0x13c: {  	[tilespmem:s20+$0x0] =	vst v4;
	v4 =	vmov s13  }
0x13d: {  	v3 =	vld.idx.msk [tilespmem:v3+s26+$0x0], $0xffff;
	v4 =	vshll.u32 v4, $0x3  }
0x13e: {  	v4 =	vor.u32 v2, v4;
	_ =	sdelay $0x2  }
0x13f: {  	s13 =	simm.s32 $0xABE0  }
0x140: {  	[tilespmem:s13+$0x0] =	vst v3  }
0x141: {  	v3 =	vld.idx.msk [tilespmem:v4+s26+$0x0], $0xffff  }
0x142: {  	v5 =	vor.u32 $0x1, v4;
	_ =	sdelay $0x2  }
0x143: {  	s14 =	simm.s32 $0x8CB0  }
0x144: {  	[tilespmem:s14+$0x0] =	vst v3  }
0x145: {  	v3 =	vld.idx.msk [tilespmem:v5+s26+$0x0], $0xffff  }
0x146: {  	v5 =	vor.u32 $0x2, v4;
	_ =	sdelay $0x2  }
0x147: {  	s15 =	simm.s32 $0x9C50  }
0x148: {  	s21 =	simm.s32 $0x20;
	[tilespmem:s15+$0x0] =	vst v3  }
0x149: {  	s12 =	simm.s32 $0x30;
	v4 =	vmov s21;
	v3 =	vld.idx.msk [tilespmem:v5+s26+$0x0], $0xffff  }
.LBB2_15:
0x14a: {  	p1 =	sne.s32 s12, $0x7C0;
	v4 =	vshll.u32 v4, $0x3  }
0x14b: {  	v4 =	vor.u32 v2, v4;
	_ =	sdelay $0x2  }
0x14c: {  	s13 =	sadd.s32 $0x10, s13  }
0x14d: {  	[tilespmem:s13+$0x0] =	vst v3  }
0x14e: {  	v3 =	vld.idx.msk [tilespmem:v4+s26+$0x0], $0xffff;
	_ =	sdelay $0x1  }
0x14f: {  	v5 =	vor.u32 $0x1, v4;
	_ =	sdelay $0x2  }
0x150: {  	s14 =	sadd.s32 $0x10, s14  }
0x151: {  	[tilespmem:s14+$0x0] =	vst v3  }
0x152: {  	v3 =	vld.idx.msk [tilespmem:v5+s26+$0x0], $0xffff;
	_ =	sdelay $0x1  }
0x153: {  	v5 =	vor.u32 $0x2, v4  }
.Ltmp7:
0x154: {  	(pc) =	sbr.rel @p1 .LBB2_15-.Ltmp7, $4  }
0x155: {  	_ = 	snop  }
0x156: {  	s15 =	sadd.s32 $0x10, s15  }
0x157: {  	[tilespmem:s15+$0x0] =	vst v3  }
0x158: {  	v4 =	vmov s12;
	s12 =	sadd.s32 $0x10, s12;
	v3 =	vld.idx.msk [tilespmem:v5+s26+$0x0], $0xffff  }
0x159: {  	v4 =	vshll.u32 v4, $0x3  }
0x15a: {  	v4 =	vor.u32 v2, v4;
	_ =	sdelay $0x2  }
0x15b: {  	s12 =	sadd.s32 $0x10, s13  }
0x15c: {  	[tilespmem:s12+$0x0] =	vst v3  }
0x15d: {  	v3 =	vld.idx.msk [tilespmem:v4+s26+$0x0], $0xffff  }
0x15e: {  	v5 =	vor.u32 $0x1, v4;
	_ =	sdelay $0x2  }
0x15f: {  	s20 =	sadd.s32 $0x10, s14  }
0x160: {  	[tilespmem:s20+$0x0] =	vst v3  }
0x161: {  	v3 =	vld.idx.msk [tilespmem:v5+s26+$0x0], $0xffff  }
0x162: {  	v4 =	vor.u32 $0x2, v4;
	_ =	sdelay $0x2  }
0x163: {  	s21 =	sadd.s32 $0x10, s15  }
0x164: {  	[tilespmem:s21+$0x0] =	vst v3  }
0x165: {  	v3 =	vld.idx.msk [tilespmem:v4+s26+$0x0], $0xffff;
	_ =	sdelay $0x3  }
0x166: {  	s12 =	sadd.s32 $0x10, s12  }
0x167: {  	s13 =	rddreg [dreg:$0xc];
	[tilespmem:s12+$0x0] =	vst v3  }
0x168: {  	[hbm4b:s13+s5] =	stream.linear.scatter [tilespmem:s30], [sflag:$0x3], $0x7D0, $0x38;
	[tilespmem:$0x1E528] =	vst v63  }
0x169: {  	s14 =	rddreg [dreg:$0xd]  }
0x16a: {  	[hbm4b:s14+s5] =	stream.linear.scatter [tilespmem:s31], [sflag:$0x3], $0x7D0, $0x38;
	[tilespmem:$0x1E528] =	vst v63  }
0x16b: {  	s15 =	rddreg [dreg:$0xe]  }
0x16c: {  	[hbm4b:s15+s5] =	stream.linear.scatter [tilespmem:s0], [sflag:$0x3], $0x7D0, $0x38;
	[tilespmem:$0x1E528] =	vst v63  }
0x16d: {  	_ =	swait.ge [sflag:s18], $0x7D0  }
0x16e: {  	[sflag:s18] =	ssyncset.done $0x0  }
0x16f: {  	[sflag:s18] =	ssyncadd.s32 $0xFFFFF830  }
0x170: {  	_ =	swait.ge [sflag:s18], $0x7D0  }
0x171: {  	[sflag:s18] =	ssyncset.done $0x0  }
0x172: {  	[sflag:s18] =	ssyncadd.s32 $0xFFFFF830  }
0x173: {  	_ =	swait.ge [sflag:s18], $0x7D0  }
0x174: {  	[sflag:s18] =	ssyncset.done $0x0  }
0x175: {  	s19 =	simm.s32 $0x4;
	[sflag:s18] =	ssyncadd.s32 $0xFFFFF830  }
0x176: {  	_ =	swait.ge [sflag:s19], $0x7D0  }
0x177: {  	[sflag:s19] =	ssyncset.done $0x0  }
0x178: {  	[sflag:s19] =	ssyncadd.s32 $0xFFFFF830  }
0x179: {  	_ =	swait.ge [sflag:s19], $0x7D0  }
0x17a: {  	[sflag:s19] =	ssyncset.done $0x0  }
0x17b: {  	[sflag:s19] =	ssyncadd.s32 $0xFFFFF830  }
0x17c: {  	_ =	swait.ge [sflag:s19], $0x7D0  }
0x17d: {  	s20 =	rddreg [dreg:$0x10]  }
0x17e: {  	s21 =	rddreg [dreg:$0xf];
	s14 =	sadd.s32 $0x1, s20  }
0x17f: {  	p1 =	sne.s32 s14, s21  }
.Ltmp8:
0x180: {  	_ = 	snop;
	(pc) =	sbr.rel @p1 .LBB2_1-.Ltmp8, $3  }
0x181: {  	_ =	sdelay $0x1  }
0x182: {  	[sflag:s19] =	ssyncset.done $0x0  }
0x183: {  	[sflag:s19] =	ssyncadd.s32 $0xFFFFF830  }
0x184: {  	_ =	sfence.sel $0x180000  }
0x185: {  	[bflag:$0x0] =	sbarrier.arrive $0xFFFF  }
0x186: {  	_ =	strace $0x9000004A  }
0x187: {  	s0 =	stileid.u32;
	[bflag:$0x2] =	sbarrier.arrive $0xFFFF  }
0x188: {  	p0 =	sne.s32 s0, $0x0;
	s0 =	rddreg [dreg:$0x4]  }
0x189: {  	s0 =	sadd.s32 @!p0 $0x100000, s0  }
0x18a: {  	[sflag:s0] =	ssyncadd.tile.s32 @!p0 $0x1;
	_ =	shalt  }
.Lfunc_end2:
_tile_overlayer_lowered:
.L_overlay_start_2:
0x18b: {  	(tag) =	ssettag $0x2  }
0x18c: {  	s0 =	rddreg [dreg:$0x0];
	s2 =	stileid.u32  }
0x18d: {  	s1 =	rddreg [dreg:$0x1];
	p0 =	sne.s32 s2, $0x0  }
0x18e: {  	s3 =	rddreg [dreg:$0x2];
	[bflag:$0x3] =	sbarrier.arrive $0xFFFF;
	s2 =	simm.s32 @!p0 $0x1C05  }
0x18f: {  	[timem:s3], [sflag:s2] =	dma.local @!p0 [hbm:s0], s1  }
0x190: {  	s0 =	simm.s32 @!p0 $0x5  }
0x191: {  	_ =	swait.ge @!p0 [sflag:s0], s1  }
0x192: {  	s1 =	ssub.s32 @!p0 $0x0, s1;
	[sflag:s0] =	ssyncset.done @!p0 $0x0  }
0x193: {  	[sflag:s0] =	ssyncadd.s32 @!p0 s1  }
0x194: {  	[bflag:$0x3] =	sbarrier.arrive $0xFFFF  }
0x195: {  	_ =	shalt  }

</sc_bundles>
